<compile_context>
chip_gen: v7x
topology: tpu7x:2x2x1
jax: 0.10.2.dev20260603
libtpu: 0.0.44.dev20260713+nightly
codegen_flags: <defaults>
</compile_context>

<pallas_src>
import functools

import jax
import jax.numpy as jnp
from jax import lax
from jax.experimental import pallas as pl
from jax.experimental.pallas import tpu as pltpu
from jax.experimental.pallas import tpu_sc as plsc

N = 100000
G = 1024
C = 128
GPB = 4
NPAD = 102400
PAD_POS = 1.0e9
PAD_GIDX = float(1 << 20)
WOFF = float(1 << 18)

def _bdot(a, b):
    return jax.lax.dot_general(a, b, (((1,), (0,)), ((), ())),
                               preferred_element_type=jnp.float32)


def _split2(x):
    hi = x.astype(jnp.bfloat16)
    lo = (x - hi.astype(jnp.float32)).astype(jnp.bfloat16)
    return hi, lo


def _split3(x):
    hi = x.astype(jnp.bfloat16)
    r = x - hi.astype(jnp.float32)
    mid = r.astype(jnp.bfloat16)
    lo = (r - mid.astype(jnp.float32)).astype(jnp.bfloat16)
    return hi, mid, lo


def _dotE_exact(Ebf, x):
    h, m, l = _split3(x)
    w = x.shape[1]
    y = _bdot(Ebf, jnp.concatenate([h, m, l], axis=1))
    return y[:, 0:w] + y[:, w:2 * w] + y[:, 2 * w:3 * w]


def _dotE(Ebf, x):
    h, l = _split2(x)
    w = x.shape[1]
    y = _bdot(Ebf, jnp.concatenate([h, l], axis=1))
    return y[:, 0:w] + y[:, w:2 * w]


def _dotW(a, wstk):
    h, l = _split2(a)
    return _bdot(jnp.concatenate([h, h, l], axis=1), wstk)


def _dotT_packed(a, b):
    ah, al = _split2(a)
    bh, bl = _split2(b)
    return jax.lax.dot_general(
        jnp.concatenate([ah, ah, al], axis=0),
        jnp.concatenate([bh, bl, bh], axis=0),
        (((0,), (0,)), ((), ())), preferred_element_type=jnp.float32)


def _celu(x):
    return jnp.where(x > 0.0, x, jnp.exp(jnp.minimum(x, 0.0)) - 1.0)


def _ln(x, g, b):
    m = jnp.mean(x, axis=-1, keepdims=True)
    v = jnp.mean((x - m) * (x - m), axis=-1, keepdims=True)
    return (x - m) * jax.lax.rsqrt(v + 1e-5) * g + b


NP2 = 102400
_CHUNK = NP2 // 8


@functools.partial(
    pl.kernel,
    mesh=plsc.VectorSubcoreMesh(core_axis_name="c", subcore_axis_name="s"),
    out_type=jax.ShapeDtypeStruct((24, 16), jnp.float32),
    scratch_types=[pltpu.VMEM((_CHUNK,), jnp.float32),
                   pltpu.VMEM((16,), jnp.float32)],
)
def _sc_min(post_hbm, out_hbm, chunk_v, part_v):
    wid = lax.axis_index("s") * 2 + lax.axis_index("c")

    @pl.when(wid < 24)
    def _():
        pltpu.sync_copy(post_hbm.at[pl.ds(wid * _CHUNK, _CHUNK)], chunk_v)

        def body(j, acc):
            return jnp.minimum(acc, chunk_v[pl.ds(j * 16, 16)])

        acc = lax.fori_loop(0, _CHUNK // 16,
                            body, jnp.full((16,), jnp.inf, jnp.float32))
        part_v[pl.ds(0, 16)] = acc
        pltpu.sync_copy(part_v, out_hbm.at[wid])


def _glimpse_compute(pt, gbase, mp,
                     W1a, b1a, W1b, b1b, g1, be1,
                     W2a, b2a, W2b, b2b, g2, be2,
                     W3a, b3a, W3b, b3b, Wl, bl):
    pos = jnp.minimum(pt[:, 0:3], 100.0)
    rgb = pt[:, 3:4]
    gf = pt[:, 4:5]
    relf = gf - gbase
    m = ((relf >= 0.0) & (relf <= GPB - 1.0)).astype(jnp.float32)

    def enc_key(v):
        return v[:, 0:1] * 4096.0 + v[:, 1:2] * 64.0 + v[:, 2:3]

    ones = jnp.ones((GPB * C, 1), jnp.float32)

    def eq_outer(kcol):
        krow = jnp.transpose(kcol, (1, 0))
        return (kcol == krow).astype(jnp.bfloat16)

    v1 = jnp.floor((pos - mp) * 4.0)
    k1 = enc_key(v1) + relf * WOFF
    E1bf = eq_outer(k1)
    S1 = _dotE_exact(E1bf, jnp.concatenate([pos, ones], axis=1))
    n1 = S1[:, 3:4]
    P1 = S1[:, 0:3] / n1
    h1 = _celu(_dotW(jnp.concatenate([rgb, pos - P1], axis=1), W1a) + b1a)
    A1 = _dotE(E1bf, h1) / n1
    F1 = _ln(_celu(_dotW(A1, W1b) + b1b), g1, be1)

    v2 = jnp.floor((P1 - mp) * 2.0)
    k2 = enc_key(v2) + relf * WOFF
    E2bf = eq_outer(k2)
    w1 = 1.0 / n1
    S2 = _dotE(E2bf, jnp.concatenate([w1, w1 * P1, ones], axis=1))
    den2 = S2[:, 0:1]
    P2 = S2[:, 1:4] / den2
    n2 = S2[:, 4:5]
    h2 = _celu(_dotW(jnp.concatenate([F1, P1 - P2], axis=1), W2a) + b2a)
    A2 = _dotE(E2bf, w1 * h2) / den2
    F2 = _ln(_celu(_dotW(A2, W2b) + b2b), g2, be2)

    h3 = _celu(_dotW(jnp.concatenate([F2, P2], axis=1), W3a) + b3a)
    w2 = m / n2
    wsel = (relf == jax.lax.broadcasted_iota(
        jnp.int32, (1, GPB), 1).astype(jnp.float32))
    w2c = w2 * wsel.astype(jnp.float32)
    sc3 = _dotT_packed(w2c, jnp.concatenate([h3, m], axis=1))
    s3 = sc3[:, 0:128]
    c3 = sc3[:, 128:129]
    A3 = s3 / jnp.maximum(c3, 1.0)
    return _dotW(_celu(_dotW(A3, W3b) + b3b), Wl) + bl


def _glimpse_kernel(starts_ref, pt_hbm, minp_ref,
                    W1a, b1a, W1b, b1b, g1, be1,
                    W2a, b2a, W2b, b2b, g2, be2,
                    W3a, b3a, W3b, b3b, Wl, bl,
                    out_ref, ptw, sems):
    weights = tuple(r[...] for r in (
        W1a, b1a, W1b, b1b, g1, be1, W2a, b2a, W2b, b2b, g2, be2,
        W3a, b3a, W3b, b3b, Wl, bl))
    i = pl.program_id(0)
    nsteps = pl.num_programs(0)
    slot = jax.lax.rem(i, 2)

    def start_fetch(step, buf):
        s = starts_ref[step * GPB]
        r0 = jnp.minimum(s, NPAD - GPB * C)
        pltpu.make_async_copy(pt_hbm.at[pl.ds(r0, GPB * C), :],
                              ptw.at[buf], sems.at[buf]).start()

    @pl.when(i == 0)
    def _():
        start_fetch(0, 0)

    @pl.when(i + 1 < nsteps)
    def _():
        start_fetch(i + 1, 1 - slot)

    pltpu.make_async_copy(pt_hbm.at[pl.ds(0, GPB * C), :],
                          ptw.at[slot], sems.at[slot]).wait()

    sm = minp_ref[...]
    mp = jnp.concatenate(
        [jnp.full((1, 1), jnp.min(sm[8 * r:8 * (r + 1), :]), jnp.float32)
         for r in range(3)], axis=1) - 0.5
    gbase = (i * GPB).astype(jnp.float32)
    o = _glimpse_compute(ptw[slot], gbase, mp, *weights)
    out_ref[0] = o


@jax.jit
def kernel(rgb, pos, glimpse_member__glimpse_index, glimpse__center, glimpse__batch,
           W1a, b1a, W1b, b1b, g1, be1,
           W2a, b2a, W2b, b2b, g2, be2,
           W3a, b3a, W3b, b3b, Wl, bl):
    gidx = glimpse_member__glimpse_index
    f32 = jnp.float32

    pt = jnp.concatenate([pos, rgb, gidx.astype(f32)[:, None],
                          jnp.zeros((N, 3), f32)], axis=1)
    padrow = jnp.array([[PAD_POS, PAD_POS, PAD_POS, 0.0, PAD_GIDX, 0.0, 0.0, 0.0]], f32)
    pt = jnp.concatenate([pt, jnp.broadcast_to(padrow, (NPAD - N, 8))], axis=0)

    starts = jnp.searchsorted(gidx, jnp.arange(G, dtype=jnp.int32)).astype(jnp.int32)

    post = jnp.concatenate(
        [pos.T, jnp.full((3, NP2 - N), PAD_POS, f32)], axis=1).reshape(3 * NP2)
    minp = _sc_min(post)

    b1a_, b1b_, g1_, be1_ = (x[None, :] for x in (b1a, b1b, g1, be1))
    b2a_, b2b_, g2_, be2_ = (x[None, :] for x in (b2a, b2b, g2, be2))
    b3a_, b3b_, bl_ = (x[None, :] for x in (b3a, b3b, bl))

    def wstack(w):
        hi = w.astype(jnp.bfloat16)
        lo = (w - hi.astype(f32)).astype(jnp.bfloat16)
        return jnp.concatenate([hi, lo, hi], axis=0)

    W1a, W1b, W2a, W2b, W3a, W3b, Wl = (
        wstack(w) for w in (W1a, W1b, W2a, W2b, W3a, W3b, Wl))

    vmem = pl.BlockSpec(memory_space=pltpu.MemorySpace.VMEM)
    grid_spec = pltpu.PrefetchScalarGridSpec(
        num_scalar_prefetch=1,
        grid=(G // GPB,),
        in_specs=[pl.BlockSpec(memory_space=pltpu.MemorySpace.HBM)] +
                 [vmem] * 19,
        out_specs=pl.BlockSpec((1, GPB, 256), lambda i, starts: (i, 0, 0)),
        scratch_shapes=[pltpu.VMEM((2, GPB * C, 8), f32),
                        pltpu.SemaphoreType.DMA((2,))],
    )

    out = pl.pallas_call(
        _glimpse_kernel,
        grid_spec=grid_spec,
        out_shape=jax.ShapeDtypeStruct((G // GPB, GPB, 256), f32),
    )(starts, pt, minp,
      W1a, b1a_, W1b, b1b_, g1_, be1_,
      W2a, b2a_, W2b, b2b_, g2_, be2_,
      W3a, b3a_, W3b, b3b_, Wl, bl_)
    return out.reshape(G, 256)

# --- scband reference (transcript-rebuilt; emitter-appended) ---
"""Pipeline reference for scband-spairglimpse-vae-15470472200215 (READ-ONLY COPY).

The authoritative reference and input builder live on the scoring server;
editing this copy changes nothing except your own understanding.
"""

import jax, jax.numpy as jnp
import numpy as np


def _voxel_cluster(pos, gidx, start, size, valid):
    v = jnp.floor((pos - start) / size).astype(jnp.int64)
    key = ((gidx.astype(jnp.int64) * 1000003 + v[:, 0]) * 1000003 + v[:, 1]) * 1000003 + v[:, 2]
    flag = (~valid).astype(key.dtype)
    pair = jnp.stack([flag, jnp.where(valid, key, jnp.zeros_like(key))], axis=1)
    M = pair.shape[0]
    uniq, inv = jnp.unique(pair, return_inverse=True, axis=0, size=M,
                           fill_value=jnp.iinfo(key.dtype).max)
    inv = inv.reshape(-1)
    gidx_s = jnp.zeros((M,), dtype=gidx.dtype).at[inv].max(jnp.where(valid, gidx, jnp.zeros_like(gidx)))
    valid_s = jnp.zeros((M,), dtype=jnp.bool_).at[inv].max(valid)
    return inv, gidx_s, valid_s


def _seg_mean(vals, idx, M, w):
    cnt = jnp.zeros((M,), vals.dtype).at[idx].add(w)
    s = jnp.zeros((M, vals.shape[1]), vals.dtype).at[idx].add(vals * w[:, None])
    return s / jnp.maximum(cnt, 1.0)[:, None]


def _pointconv(x_in, pos_in, pos_out, out_index, M, Wa, ba, Wb, bb, valid):
    rel = pos_in - pos_out[out_index]
    h = jax.nn.celu(jnp.concatenate([x_in, rel], axis=1) @ Wa + ba)
    agg = _seg_mean(h, out_index, M, valid.astype(h.dtype))
    return agg @ Wb + bb


def _ln(x, g, b):
    m = x.mean(-1, keepdims=True)
    v = x.var(-1, keepdims=True)
    return (x - m) / jnp.sqrt(v + 1e-5) * g + b


def setup_inputs(seed: int = 0):
    key = jax.random.key(seed)
    ks = jax.random.split(key, 20)
    N, G, B = 100000, 1024, 8
    inp = {}
    inp["rgb"] = jax.random.normal(ks[0], (N, 1), jnp.float32)
    inp["pos"] = jax.random.uniform(ks[1], (N, 3), jnp.float32) * 10.0
    inp["glimpse_member__glimpse_index"] = jnp.sort(jax.random.randint(ks[2], (N,), 0, G, dtype=jnp.int32))
    inp["glimpse__center"] = jax.random.normal(ks[3], (G, 3), jnp.float32)
    inp["glimpse__batch"] = jnp.sort(jax.random.randint(ks[4], (G,), 0, B, dtype=jnp.int32))
    def rn(k, shape, scale):
        return jax.random.normal(k, shape, jnp.float32) * scale
    inp["W1a"] = rn(ks[5], (1 + 3, 16), 0.3); inp["b1a"] = jnp.zeros((16,), jnp.float32)
    inp["W1b"] = rn(ks[6], (16, 32), 0.2); inp["b1b"] = jnp.zeros((32,), jnp.float32)
    inp["g1"] = jnp.ones((32,), jnp.float32); inp["be1"] = jnp.zeros((32,), jnp.float32)
    inp["W2a"] = rn(ks[7], (32 + 3, 64), 0.15); inp["b2a"] = jnp.zeros((64,), jnp.float32)
    inp["W2b"] = rn(ks[8], (64, 128), 0.1); inp["b2b"] = jnp.zeros((128,), jnp.float32)
    inp["g2"] = jnp.ones((128,), jnp.float32); inp["be2"] = jnp.zeros((128,), jnp.float32)
    inp["W3a"] = rn(ks[9], (128 + 3, 128), 0.1); inp["b3a"] = jnp.zeros((128,), jnp.float32)
    inp["W3b"] = rn(ks[10], (128, 256), 0.08); inp["b3b"] = jnp.zeros((256,), jnp.float32)
    inp["Wl"] = rn(ks[11], (256, 256), 0.06); inp["bl"] = jnp.zeros((256,), jnp.float32)
    return inp


def reference(rgb, pos, glimpse_member__glimpse_index, glimpse__center, glimpse__batch,
              W1a, b1a, W1b, b1b, g1, be1,
              W2a, b2a, W2b, b2b, g2, be2,
              W3a, b3a, W3b, b3b, Wl, bl):
    gidx = glimpse_member__glimpse_index
    min_pos = pos.min(axis=0) - 0.5
    N = pos.shape[0]
    valid0 = jnp.ones((N,), dtype=jnp.bool_)
    # level 0: voxel mean pool (size 0.25) + PointConv1 (c_in=1 -> 16 -> 32)
    inv1, gidx1, valid1 = _voxel_cluster(pos, gidx, min_pos, 0.25, valid0)
    pos1 = _seg_mean(pos, inv1, N, valid0.astype(pos.dtype))
    f = jax.nn.celu(_pointconv(rgb, pos, pos1, inv1, N, W1a, b1a, W1b, b1b, valid0))
    f = _ln(f, g1, be1)
    # level 1: voxel mean pool (size 0.5) + PointConv2 (32 -> 64 -> 128)
    inv2, gidx2, valid2 = _voxel_cluster(pos1, gidx1, min_pos, 0.5, valid1)
    pos2 = _seg_mean(pos1, inv2, N, valid1.astype(pos.dtype))
    f = jax.nn.celu(_pointconv(f, pos1, pos2, inv2, N, W2a, b2a, W2b, b2b, valid1))
    f = _ln(f, g2, be2)
    # level 2: pool all remaining points to their glimpse (PointConv3, 128 -> 128 -> 256)
    G = glimpse__center.shape[0]
    f = jax.nn.celu(_pointconv(f, pos2, jnp.zeros_like(glimpse__center), gidx2, G, W3a, b3a, W3b, b3b, valid2))
    out = f @ Wl + bl
    return out

if __name__ == "__main__":
    import jax
    _d = setup_inputs()
    print(jax.jit(kernel)(*tuple(_d.values())))

</pallas_src>

<mosaic_0001>
#map = affine_map<(d0, d1) -> (0)>
#map1 = affine_map<(d0, d1) -> (0, 0)>
module attributes {stable_mosaic.version = 14 : i64} {
  func.func @_sc_min(%arg0: i32, %arg1: i32, %arg2: memref<307200xf32, #tpu.memory_space<hbm>>, %arg3: memref<24x16xf32, #tpu.memory_space<hbm>>, %arg4: memref<12800xf32, #tpu.memory_space<vmem>>, %arg5: memref<16xf32, #tpu.memory_space<vmem>>) attributes {dimension_semantics = [#tpu.dimension_semantics<core_parallel>, #tpu.dimension_semantics<subcore_parallel>], iteration_bounds = array<i64: 2, 16>, scalar_prefetch = 0 : i64, scratch_operands = 2 : i64, tpu.core_type = #tpu.core_type<sc_vector_subcore>, window_params = [{transform_indices = #map}, {transform_indices = #map1}]} {
    %mul3A = arith.constant 2 : i32
    %mul3A_0 = arith.muli %arg1, %mul3A : i32
    %add3A = arith.addi %mul3A_0, %arg0 : i32
    %lt3A = arith.constant 24 : i32
    %lt3A_1 = arith.cmpi slt, %add3A, %lt3A : i32
    %convert_element_type3A = arith.extui %lt3A_1 : i1 to i32
    %cond3A = arith.constant 0 : i32
    %cond3A_2 = arith.cmpi ne, %convert_element_type3A, %cond3A : i32
    scf.if %cond3A_2 {
      %mul3A_3 = arith.constant 12800 : i32
      %mul3A_4 = arith.muli %add3A, %mul3A_3 : i32
      "tpu.region"() ({
        %run_scoped3A = tpu.sem_alloc : memref<!tpu.dma_semaphore, #tpu.memory_space<semaphore_mem>>
        %dma_start3A = tpu.memref_slice %arg2[%mul3A_4] : memref<307200xf32, #tpu.memory_space<hbm>> -> memref<12800xf32, #tpu.memory_space<hbm>>
        %dma_start3A_14 = tpu.memref_slice %arg2[%mul3A_4] : memref<307200xf32, #tpu.memory_space<hbm>> -> memref<12800xf32, #tpu.memory_space<hbm>>
        tpu.enqueue_dma source(%dma_start3A_14 : memref<12800xf32, #tpu.memory_space<hbm>>) target(%arg4 : memref<12800xf32, #tpu.memory_space<vmem>>) target_semaphore(%run_scoped3A : memref<!tpu.dma_semaphore, #tpu.memory_space<semaphore_mem>>)
        %dma_wait3A = tpu.memref_slice %arg2[%mul3A_4] : memref<307200xf32, #tpu.memory_space<hbm>> -> memref<12800xf32, #tpu.memory_space<hbm>>
        %dma_wait3A_15 = tpu.memref_slice %arg2[%mul3A_4] : memref<307200xf32, #tpu.memory_space<hbm>> -> memref<12800xf32, #tpu.memory_space<hbm>>
        tpu.wait_dma2 semaphore(%run_scoped3A : memref<!tpu.dma_semaphore, #tpu.memory_space<semaphore_mem>>) src(%dma_wait3A_15 : memref<12800xf32, #tpu.memory_space<hbm>>) dst(%arg4 : memref<12800xf32, #tpu.memory_space<vmem>>)
        tpu.yield
      }) : () -> ()
      %broadcast_in_dim3A = arith.constant 0x7F800000 : f32
      %broadcast_in_dim3A_5 = vector.broadcast %broadcast_in_dim3A : f32 to vector<16xf32>
      %scan3A = arith.constant 0 : i32
      %scan3A_6 = arith.constant 800 : i32
      %scan3A_7 = arith.addi %scan3A, %scan3A_6 : i32
      %scan3A_8 = arith.constant 1 : i32
      %scan3A_9 = scf.for %scan3A_14 = %scan3A to %scan3A_7 step %scan3A_8 iter_args(%scan3A_15 = %broadcast_in_dim3A_5) -> (vector<16xf32>)  : i32 {
        %mul3A_16 = arith.constant 16 : i32
        %mul3A_17 = arith.muli %scan3A_14, %mul3A_16 : i32
        %get3A = arith.index_cast %mul3A_17 : i32 to index
        %get3A_18 = tpu.vector_load %arg4[%get3A] {strides = array<i32>} : memref<12800xf32, #tpu.memory_space<vmem>>, vector<16xf32>,
        %get3A_19 = vector.shape_cast %get3A_18 : vector<16xf32> to vector<16xf32>
        %min3A = arith.minimumf %scan3A_15, %get3A_19 : vector<16xf32>
        scf.yield %min3A : vector<16xf32>
      }
      %scan3A_10 = arith.constant 800 : i32
      %swap3A = arith.constant 0 : index
      %swap3A_11 = tpu.vector_load %arg5[%swap3A] {strides = array<i32>} : memref<16xf32, #tpu.memory_space<vmem>>, vector<16xf32>,
      %swap3A_12 = vector.shape_cast %swap3A_11 : vector<16xf32> to vector<16xf32>
      %swap3A_13 = vector.shape_cast %scan3A_9 : vector<16xf32> to vector<16xf32>
      tpu.vector_store %arg5[%swap3A], %swap3A_13 {strides = array<i32>} : memref<16xf32, #tpu.memory_space<vmem>>, vector<16xf32>,
      "tpu.region"() ({
        %run_scoped3A = tpu.sem_alloc : memref<!tpu.dma_semaphore, #tpu.memory_space<semaphore_mem>>
        %dma_start3A = arith.constant 0 : i32
        %dma_start3A_14 = tpu.memref_slice %arg3[%add3A, %dma_start3A] : memref<24x16xf32, #tpu.memory_space<hbm>> -> memref<1x16xf32, #tpu.memory_space<hbm>>
        %dma_start3A_15 = tpu.memref_squeeze %dma_start3A_14 : memref<1x16xf32, #tpu.memory_space<hbm>> -> memref<16xf32, #tpu.memory_space<hbm>>
        %dma_start3A_16 = arith.constant 0 : i32
        %dma_start3A_17 = tpu.memref_slice %arg3[%add3A, %dma_start3A_16] : memref<24x16xf32, #tpu.memory_space<hbm>> -> memref<1x16xf32, #tpu.memory_space<hbm>>
        %dma_start3A_18 = tpu.memref_squeeze %dma_start3A_17 : memref<1x16xf32, #tpu.memory_space<hbm>> -> memref<16xf32, #tpu.memory_space<hbm>>
        tpu.enqueue_dma source(%arg5 : memref<16xf32, #tpu.memory_space<vmem>>) target(%dma_start3A_18 : memref<16xf32, #tpu.memory_space<hbm>>) target_semaphore(%run_scoped3A : memref<!tpu.dma_semaphore, #tpu.memory_space<semaphore_mem>>)
        %dma_wait3A = arith.constant 0 : i32
        %dma_wait3A_19 = tpu.memref_slice %arg3[%add3A, %dma_wait3A] : memref<24x16xf32, #tpu.memory_space<hbm>> -> memref<1x16xf32, #tpu.memory_space<hbm>>
        %dma_wait3A_20 = tpu.memref_squeeze %dma_wait3A_19 : memref<1x16xf32, #tpu.memory_space<hbm>> -> memref<16xf32, #tpu.memory_space<hbm>>
        %dma_wait3A_21 = arith.constant 0 : i32
        %dma_wait3A_22 = tpu.memref_slice %arg3[%add3A, %dma_wait3A_21] : memref<24x16xf32, #tpu.memory_space<hbm>> -> memref<1x16xf32, #tpu.memory_space<hbm>>
        %dma_wait3A_23 = tpu.memref_squeeze %dma_wait3A_22 : memref<1x16xf32, #tpu.memory_space<hbm>> -> memref<16xf32, #tpu.memory_space<hbm>>
        tpu.wait_dma2 semaphore(%run_scoped3A : memref<!tpu.dma_semaphore, #tpu.memory_space<semaphore_mem>>) src(%arg5 : memref<16xf32, #tpu.memory_space<vmem>>) dst(%dma_wait3A_23 : memref<16xf32, #tpu.memory_space<hbm>>)
        tpu.yield
      }) : () -> ()
    } else {
    }
    return
  }
}

module attributes {stable_mosaic.version = 14 : i64} {
  func.func @_glimpse_kernel(%arg0: i32, %arg1: memref<1024xi32, #tpu.memory_space<smem>>, %arg2: memref<102400x8xf32, #tpu.memory_space<hbm>>, %arg3: memref<24x16xf32, #tpu.memory_space<vmem>>, %arg4: memref<12x16xbf16, #tpu.memory_space<vmem>>, %arg5: memref<1x16xf32, #tpu.memory_space<vmem>>, %arg6: memref<48x32xbf16, #tpu.memory_space<vmem>>, %arg7: memref<1x32xf32, #tpu.memory_space<vmem>>, %arg8: memref<1x32xf32, #tpu.memory_space<vmem>>, %arg9: memref<1x32xf32, #tpu.memory_space<vmem>>, %arg10: memref<105x64xbf16, #tpu.memory_space<vmem>>, %arg11: memref<1x64xf32, #tpu.memory_space<vmem>>, %arg12: memref<192x128xbf16, #tpu.memory_space<vmem>>, %arg13: memref<1x128xf32, #tpu.memory_space<vmem>>, %arg14: memref<1x128xf32, #tpu.memory_space<vmem>>, %arg15: memref<1x128xf32, #tpu.memory_space<vmem>>, %arg16: memref<393x128xbf16, #tpu.memory_space<vmem>>, %arg17: memref<1x128xf32, #tpu.memory_space<vmem>>, %arg18: memref<384x256xbf16, #tpu.memory_space<vmem>>, %arg19: memref<1x256xf32, #tpu.memory_space<vmem>>, %arg20: memref<768x256xbf16, #tpu.memory_space<vmem>>, %arg21: memref<1x256xf32, #tpu.memory_space<vmem>>, %arg22: memref<1x4x256xf32, #tpu.memory_space<vmem>>, %arg23: memref<2x512x8xf32, #tpu.memory_space<vmem>>, %arg24: memref<2x!tpu.dma_semaphore, #tpu.memory_space<semaphore_mem>>) attributes {dimension_semantics = [#tpu.dimension_semantics<arbitrary>], iteration_bounds = array<i64: 256>, scalar_prefetch = 1 : i64, scratch_operands = 2 : i64, tpu.core_type = #tpu.core_type<tc>, window_params = [{}, {pipeline_mode = #tpu.pipeline_mode<synchronous>, transform_indices = @transform_1, window_bounds = array<i64: 24, 16>}, {pipeline_mode = #tpu.pipeline_mode<synchronous>, transform_indices = @transform_2, window_bounds = array<i64: 12, 16>}, {pipeline_mode = #tpu.pipeline_mode<synchronous>, transform_indices = @transform_3, window_bounds = array<i64: 1, 16>}, {pipeline_mode = #tpu.pipeline_mode<synchronous>, transform_indices = @transform_4, window_bounds = array<i64: 48, 32>}, {pipeline_mode = #tpu.pipeline_mode<synchronous>, transform_indices = @transform_5, window_bounds = array<i64: 1, 32>}, {pipeline_mode = #tpu.pipeline_mode<synchronous>, transform_indices = @transform_6, window_bounds = array<i64: 1, 32>}, {pipeline_mode = #tpu.pipeline_mode<synchronous>, transform_indices = @transform_7, window_bounds = array<i64: 1, 32>}, {pipeline_mode = #tpu.pipeline_mode<synchronous>, transform_indices = @transform_8, window_bounds = array<i64: 105, 64>}, {pipeline_mode = #tpu.pipeline_mode<synchronous>, transform_indices = @transform_9, window_bounds = array<i64: 1, 64>}, {pipeline_mode = #tpu.pipeline_mode<synchronous>, transform_indices = @transform_10, window_bounds = array<i64: 192, 128>}, {pipeline_mode = #tpu.pipeline_mode<synchronous>, transform_indices = @transform_11, window_bounds = array<i64: 1, 128>}, {pipeline_mode = #tpu.pipeline_mode<synchronous>, transform_indices = @transform_12, window_bounds = array<i64: 1, 128>}, {pipeline_mode = #tpu.pipeline_mode<synchronous>, transform_indices = @transform_13, window_bounds = array<i64: 1, 128>}, {pipeline_mode = #tpu.pipeline_mode<synchronous>, transform_indices = @transform_14, window_bounds = array<i64: 393, 128>}, {pipeline_mode = #tpu.pipeline_mode<synchronous>, transform_indices = @transform_15, window_bounds = array<i64: 1, 128>}, {pipeline_mode = #tpu.pipeline_mode<synchronous>, transform_indices = @transform_16, window_bounds = array<i64: 384, 256>}, {pipeline_mode = #tpu.pipeline_mode<synchronous>, transform_indices = @transform_17, window_bounds = array<i64: 1, 256>}, {pipeline_mode = #tpu.pipeline_mode<synchronous>, transform_indices = @transform_18, window_bounds = array<i64: 768, 256>}, {pipeline_mode = #tpu.pipeline_mode<synchronous>, transform_indices = @transform_19, window_bounds = array<i64: 1, 256>}, {transform_indices = @transform_20, window_bounds = array<i64: 1, 4, 256>}]} {
    %get3A = arith.constant 0 : index
    %get3A_0 = arith.constant 0 : index
    %get3A_1 = vector.load %arg4[%get3A, %get3A_0] : memref<12x16xbf16, #tpu.memory_space<vmem>>, vector<12x16xbf16>
    %get3A_2 = arith.constant 0 : index
    %get3A_3 = arith.constant 0 : index
    %get3A_4 = vector.load %arg5[%get3A_2, %get3A_3] : memref<1x16xf32, #tpu.memory_space<vmem>>, vector<1x16xf32>
    %get3A_5 = arith.constant 0 : index
    %get3A_6 = arith.constant 0 : index
    %get3A_7 = vector.load %arg6[%get3A_5, %get3A_6] : memref<48x32xbf16, #tpu.memory_space<vmem>>, vector<48x32xbf16>
    %get3A_8 = arith.constant 0 : index
    %get3A_9 = arith.constant 0 : index
    %get3A_10 = vector.load %arg7[%get3A_8, %get3A_9] : memref<1x32xf32, #tpu.memory_space<vmem>>, vector<1x32xf32>
    %get3A_11 = arith.constant 0 : index
    %get3A_12 = arith.constant 0 : index
    %get3A_13 = vector.load %arg8[%get3A_11, %get3A_12] : memref<1x32xf32, #tpu.memory_space<vmem>>, vector<1x32xf32>
    %get3A_14 = arith.constant 0 : index
    %get3A_15 = arith.constant 0 : index
    %get3A_16 = vector.load %arg9[%get3A_14, %get3A_15] : memref<1x32xf32, #tpu.memory_space<vmem>>, vector<1x32xf32>
    %get3A_17 = arith.constant 0 : index
    %get3A_18 = arith.constant 0 : index
    %get3A_19 = vector.load %arg10[%get3A_17, %get3A_18] : memref<105x64xbf16, #tpu.memory_space<vmem>>, vector<105x64xbf16>
    %get3A_20 = arith.constant 0 : index
    %get3A_21 = arith.constant 0 : index
    %get3A_22 = vector.load %arg11[%get3A_20, %get3A_21] : memref<1x64xf32, #tpu.memory_space<vmem>>, vector<1x64xf32>
    %get3A_23 = arith.constant 0 : index
    %get3A_24 = arith.constant 0 : index
    %get3A_25 = vector.load %arg12[%get3A_23, %get3A_24] : memref<192x128xbf16, #tpu.memory_space<vmem>>, vector<192x128xbf16>
    %get3A_26 = arith.constant 0 : index
    %get3A_27 = arith.constant 0 : index
    %get3A_28 = vector.load %arg13[%get3A_26, %get3A_27] : memref<1x128xf32, #tpu.memory_space<vmem>>, vector<1x128xf32>
    %get3A_29 = arith.constant 0 : index
    %get3A_30 = arith.constant 0 : index
    %get3A_31 = vector.load %arg14[%get3A_29, %get3A_30] : memref<1x128xf32, #tpu.memory_space<vmem>>, vector<1x128xf32>
    %get3A_32 = arith.constant 0 : index
    %get3A_33 = arith.constant 0 : index
    %get3A_34 = vector.load %arg15[%get3A_32, %get3A_33] : memref<1x128xf32, #tpu.memory_space<vmem>>, vector<1x128xf32>
    %get3A_35 = arith.constant 0 : index
    %get3A_36 = arith.constant 0 : index
    %get3A_37 = vector.load %arg16[%get3A_35, %get3A_36] : memref<393x128xbf16, #tpu.memory_space<vmem>>, vector<393x128xbf16>
    %get3A_38 = arith.constant 0 : index
    %get3A_39 = arith.constant 0 : index
    %get3A_40 = vector.load %arg17[%get3A_38, %get3A_39] : memref<1x128xf32, #tpu.memory_space<vmem>>, vector<1x128xf32>
    %get3A_41 = arith.constant 0 : index
    %get3A_42 = arith.constant 0 : index
    %get3A_43 = vector.load %arg18[%get3A_41, %get3A_42] : memref<384x256xbf16, #tpu.memory_space<vmem>>, vector<384x256xbf16>
    %get3A_44 = arith.constant 0 : index
    %get3A_45 = arith.constant 0 : index
    %get3A_46 = vector.load %arg19[%get3A_44, %get3A_45] : memref<1x256xf32, #tpu.memory_space<vmem>>, vector<1x256xf32>
    %get3A_47 = arith.constant 0 : index
    %get3A_48 = arith.constant 0 : index
    %get3A_49 = vector.load %arg20[%get3A_47, %get3A_48] : memref<768x256xbf16, #tpu.memory_space<vmem>>, vector<768x256xbf16>
    %get3A_50 = arith.constant 0 : index
    %get3A_51 = arith.constant 0 : index
    %get3A_52 = vector.load %arg21[%get3A_50, %get3A_51] : memref<1x256xf32, #tpu.memory_space<vmem>>, vector<1x256xf32>
    %rem3A = arith.constant 2 : i32
    %rem3A_53 = arith.remsi %arg0, %rem3A : i32
    %eq3A = arith.constant 0 : i32
    %eq3A_54 = arith.cmpi eq, %arg0, %eq3A : i32
    %convert_element_type3A = arith.extui %eq3A_54 : i1 to i32
    %cond3A = arith.constant 0 : i32
    %cond3A_55 = arith.cmpi ne, %convert_element_type3A, %cond3A : i32
    scf.if %cond3A_55 {
      %get3A_475 = arith.constant 0 : index
      %get3A_476 = memref.load %arg1[%get3A_475] : memref<1024xi32, #tpu.memory_space<smem>>
      %min3A_477 = arith.constant 101888 : i32
      %min3A_478 = arith.minsi %get3A_476, %min3A_477 : i32
      %dma_start3A = arith.constant 0 : i32
      %dma_start3A_479 = arith.constant 0 : i32
      %dma_start3A_480 = tpu.memref_slice %arg24[%dma_start3A_479] : memref<2x!tpu.dma_semaphore, #tpu.memory_space<semaphore_mem>> -> memref<1x!tpu.dma_semaphore, #tpu.memory_space<semaphore_mem>>
      %dma_start3A_481 = tpu.memref_squeeze %dma_start3A_480 : memref<1x!tpu.dma_semaphore, #tpu.memory_space<semaphore_mem>> -> memref<!tpu.dma_semaphore, #tpu.memory_space<semaphore_mem>>
      %dma_start3A_482 = arith.constant 0 : i32
      %dma_start3A_483 = arith.constant 0 : i32
      %dma_start3A_484 = tpu.memref_slice %arg23[%dma_start3A, %dma_start3A_482, %dma_start3A_483] : memref<2x512x8xf32, #tpu.memory_space<vmem>> -> memref<1x512x8xf32, #tpu.memory_space<vmem>>
      %dma_start3A_485 = tpu.memref_squeeze %dma_start3A_484 : memref<1x512x8xf32, #tpu.memory_space<vmem>> -> memref<512x8xf32, #tpu.memory_space<vmem>>
      %dma_start3A_486 = arith.constant 0 : i32
      %dma_start3A_487 = tpu.memref_slice %arg2[%min3A_478, %dma_start3A_486] : memref<102400x8xf32, #tpu.memory_space<hbm>> -> memref<512x8xf32, #tpu.memory_space<hbm>>
      tpu.enqueue_dma source(%dma_start3A_487 : memref<512x8xf32, #tpu.memory_space<hbm>>) target(%dma_start3A_485 : memref<512x8xf32, #tpu.memory_space<vmem>>) target_semaphore(%dma_start3A_481 : memref<!tpu.dma_semaphore, #tpu.memory_space<semaphore_mem>>)
    } else {
    }
    %add3A = arith.constant 1 : i32
    %add3A_56 = arith.addi %arg0, %add3A : i32
    %lt3A = arith.constant 256 : i32
    %lt3A_57 = arith.cmpi slt, %add3A_56, %lt3A : i32
    %convert_element_type3A_58 = arith.extui %lt3A_57 : i1 to i32
    %cond3A_59 = arith.constant 0 : i32
    %cond3A_60 = arith.cmpi ne, %convert_element_type3A_58, %cond3A_59 : i32
    scf.if %cond3A_60 {
      %add3A_475 = arith.constant 1 : i32
      %add3A_476 = arith.addi %arg0, %add3A_475 : i32
      %sub3A_477 = arith.constant 1 : i32
      %sub3A_478 = arith.subi %sub3A_477, %rem3A_53 : i32
      %mul3A_479 = arith.constant 4 : i32
      %mul3A_480 = arith.muli %add3A_476, %mul3A_479 : i32
      %get3A_481 = arith.index_cast %mul3A_480 : i32 to index
      %get3A_482 = memref.load %arg1[%get3A_481] : memref<1024xi32, #tpu.memory_space<smem>>
      %min3A_483 = arith.constant 101888 : i32
      %min3A_484 = arith.minsi %get3A_482, %min3A_483 : i32
      %dma_start3A = tpu.memref_slice %arg24[%sub3A_478] : memref<2x!tpu.dma_semaphore, #tpu.memory_space<semaphore_mem>> -> memref<1x!tpu.dma_semaphore, #tpu.memory_space<semaphore_mem>>
      %dma_start3A_485 = tpu.memref_squeeze %dma_start3A : memref<1x!tpu.dma_semaphore, #tpu.memory_space<semaphore_mem>> -> memref<!tpu.dma_semaphore, #tpu.memory_space<semaphore_mem>>
      %dma_start3A_486 = arith.constant 0 : i32
      %dma_start3A_487 = arith.constant 0 : i32
      %dma_start3A_488 = tpu.memref_slice %arg23[%sub3A_478, %dma_start3A_486, %dma_start3A_487] : memref<2x512x8xf32, #tpu.memory_space<vmem>> -> memref<1x512x8xf32, #tpu.memory_space<vmem>>
      %dma_start3A_489 = tpu.memref_squeeze %dma_start3A_488 : memref<1x512x8xf32, #tpu.memory_space<vmem>> -> memref<512x8xf32, #tpu.memory_space<vmem>>
      %dma_start3A_490 = arith.constant 0 : i32
      %dma_start3A_491 = tpu.memref_slice %arg2[%min3A_484, %dma_start3A_490] : memref<102400x8xf32, #tpu.memory_space<hbm>> -> memref<512x8xf32, #tpu.memory_space<hbm>>
      tpu.enqueue_dma source(%dma_start3A_491 : memref<512x8xf32, #tpu.memory_space<hbm>>) target(%dma_start3A_489 : memref<512x8xf32, #tpu.memory_space<vmem>>) target_semaphore(%dma_start3A_485 : memref<!tpu.dma_semaphore, #tpu.memory_space<semaphore_mem>>)
    } else {
    }
    %dma_wait3A = tpu.memref_slice %arg24[%rem3A_53] : memref<2x!tpu.dma_semaphore, #tpu.memory_space<semaphore_mem>> -> memref<1x!tpu.dma_semaphore, #tpu.memory_space<semaphore_mem>>
    %dma_wait3A_61 = tpu.memref_squeeze %dma_wait3A : memref<1x!tpu.dma_semaphore, #tpu.memory_space<semaphore_mem>> -> memref<!tpu.dma_semaphore, #tpu.memory_space<semaphore_mem>>
    %dma_wait3A_62 = arith.constant 0 : i32
    %dma_wait3A_63 = arith.constant 0 : i32
    %dma_wait3A_64 = tpu.memref_slice %arg23[%rem3A_53, %dma_wait3A_62, %dma_wait3A_63] : memref<2x512x8xf32, #tpu.memory_space<vmem>> -> memref<1x512x8xf32, #tpu.memory_space<vmem>>
    %dma_wait3A_65 = tpu.memref_squeeze %dma_wait3A_64 : memref<1x512x8xf32, #tpu.memory_space<vmem>> -> memref<512x8xf32, #tpu.memory_space<vmem>>
    %dma_wait3A_66 = arith.constant 0 : i32
    %dma_wait3A_67 = arith.constant 0 : i32
    %dma_wait3A_68 = tpu.memref_slice %arg2[%dma_wait3A_66, %dma_wait3A_67] : memref<102400x8xf32, #tpu.memory_space<hbm>> -> memref<512x8xf32, #tpu.memory_space<hbm>>
    tpu.wait_dma2 semaphore(%dma_wait3A_61 : memref<!tpu.dma_semaphore, #tpu.memory_space<semaphore_mem>>) src(%dma_wait3A_68 : memref<512x8xf32, #tpu.memory_space<hbm>>) dst(%dma_wait3A_65 : memref<512x8xf32, #tpu.memory_space<vmem>>)
    %get3A_69 = arith.constant 0 : index
    %get3A_70 = arith.constant 0 : index
    %get3A_71 = vector.load %arg3[%get3A_69, %get3A_70] : memref<24x16xf32, #tpu.memory_space<vmem>>, vector<24x16xf32>
    %slice3A = vector.extract_strided_slice %get3A_71 {offsets = [0, 0], sizes = [8, 16], strides = [1, 1]} : vector<24x16xf32> to vector<8x16xf32>
    %reduce_min3A = vector.shape_cast %slice3A : vector<8x16xf32> to vector<1x8x16xf32>
    %reduce_min3A_72 = arith.constant dense<0x7F800000> : vector<1xf32>
    %reduce_min3A_73 = vector.multi_reduction <minimumf>, %reduce_min3A, %reduce_min3A_72 [1, 2] : vector<1x8x16xf32> to vector<1xf32>
    %reduce_min3A_74 = vector.shape_cast %reduce_min3A_73 : vector<1xf32> to vector<1x1x1xf32>
    %reduce_min3A_75 = vector.extract %reduce_min3A_74[0, 0, 0] : f32 from vector<1x1x1xf32>
    %broadcast_in_dim3A = vector.broadcast %reduce_min3A_75 : f32 to vector<1x1xf32>
    %slice3A_76 = vector.extract_strided_slice %get3A_71 {offsets = [8, 0], sizes = [8, 16], strides = [1, 1]} : vector<24x16xf32> to vector<8x16xf32>
    %reduce_min3A_77 = vector.shape_cast %slice3A_76 : vector<8x16xf32> to vector<1x8x16xf32>
    %reduce_min3A_78 = arith.constant dense<0x7F800000> : vector<1xf32>
    %reduce_min3A_79 = vector.multi_reduction <minimumf>, %reduce_min3A_77, %reduce_min3A_78 [1, 2] : vector<1x8x16xf32> to vector<1xf32>
    %reduce_min3A_80 = vector.shape_cast %reduce_min3A_79 : vector<1xf32> to vector<1x1x1xf32>
    %reduce_min3A_81 = vector.extract %reduce_min3A_80[0, 0, 0] : f32 from vector<1x1x1xf32>
    %broadcast_in_dim3A_82 = vector.broadcast %reduce_min3A_81 : f32 to vector<1x1xf32>
    %slice3A_83 = vector.extract_strided_slice %get3A_71 {offsets = [16, 0], sizes = [8, 16], strides = [1, 1]} : vector<24x16xf32> to vector<8x16xf32>
    %reduce_min3A_84 = vector.shape_cast %slice3A_83 : vector<8x16xf32> to vector<1x8x16xf32>
    %reduce_min3A_85 = arith.constant dense<0x7F800000> : vector<1xf32>
    %reduce_min3A_86 = vector.multi_reduction <minimumf>, %reduce_min3A_84, %reduce_min3A_85 [1, 2] : vector<1x8x16xf32> to vector<1xf32>
    %reduce_min3A_87 = vector.shape_cast %reduce_min3A_86 : vector<1xf32> to vector<1x1x1xf32>
    %reduce_min3A_88 = vector.extract %reduce_min3A_87[0, 0, 0] : f32 from vector<1x1x1xf32>
    %broadcast_in_dim3A_89 = vector.broadcast %reduce_min3A_88 : f32 to vector<1x1xf32>
    %concatenate3A = tpu.concatenate %broadcast_in_dim3A, %broadcast_in_dim3A_82, %broadcast_in_dim3A_89 in 1 : vector<1x1xf32>, vector<1x1xf32>, vector<1x1xf32> -> vector<1x3xf32>
    %sub3A = arith.constant 5.000000e-01 : f32
    %sub3A_90 = vector.broadcast %sub3A : f32 to vector<1x3xf32>
    %sub3A_91 = arith.subf %concatenate3A, %sub3A_90 : vector<1x3xf32>
    %mul3A = arith.constant 4 : i32
    %mul3A_92 = arith.muli %arg0, %mul3A : i32
    %convert_element_type3A_93 = arith.sitofp %mul3A_92 : i32 to f32
    %get3A_94 = arith.index_cast %rem3A_53 : i32 to index
    %get3A_95 = arith.constant 0 : index
    %get3A_96 = arith.constant 0 : index
    %get3A_97 = vector.load %arg23[%get3A_94, %get3A_95, %get3A_96] : memref<2x512x8xf32, #tpu.memory_space<vmem>>, vector<1x512x8xf32>
    %get3A_98 = vector.shape_cast %get3A_97 : vector<1x512x8xf32> to vector<512x8xf32>
    %slice3A_99 = vector.extract_strided_slice %get3A_98 {offsets = [0, 0], sizes = [512, 3], strides = [1, 1]} : vector<512x8xf32> to vector<512x3xf32>
    %min3A = arith.constant 1.000000e+02 : f32
    %min3A_100 = vector.broadcast %min3A : f32 to vector<512x3xf32>
    %min3A_101 = arith.minimumf %slice3A_99, %min3A_100 : vector<512x3xf32>
    %slice3A_102 = vector.extract_strided_slice %get3A_98 {offsets = [0, 3], sizes = [512, 1], strides = [1, 1]} : vector<512x8xf32> to vector<512x1xf32>
    %slice3A_103 = vector.extract_strided_slice %get3A_98 {offsets = [0, 4], sizes = [512, 1], strides = [1, 1]} : vector<512x8xf32> to vector<512x1xf32>
    %sub3A_104 = vector.broadcast %convert_element_type3A_93 : f32 to vector<512x1xf32>
    %sub3A_105 = arith.subf %slice3A_103, %sub3A_104 : vector<512x1xf32>
    %ge3A = arith.constant 0.000000e+00 : f32
    %ge3A_106 = vector.broadcast %ge3A : f32 to vector<512x1xf32>
    %ge3A_107 = arith.cmpf oge, %sub3A_105, %ge3A_106 : vector<512x1xf32>
    %le3A = arith.constant 3.000000e+00 : f32
    %le3A_108 = vector.broadcast %le3A : f32 to vector<512x1xf32>
    %le3A_109 = arith.cmpf ole, %sub3A_105, %le3A_108 : vector<512x1xf32>
    %and3A = arith.andi %ge3A_107, %le3A_109 : vector<512x1xi1>
    %convert_element_type3A_110 = arith.extui %and3A : vector<512x1xi1> to vector<512x1xi32>
    %convert_element_type3A_111 = arith.sitofp %convert_element_type3A_110 : vector<512x1xi32> to vector<512x1xf32>
    %broadcast_in_dim3A_112 = arith.constant 1.000000e+00 : f32
    %broadcast_in_dim3A_113 = vector.broadcast %broadcast_in_dim3A_112 : f32 to vector<512x1xf32>
    %sub3A_114 = vector.broadcast %sub3A_91 : vector<1x3xf32> to vector<512x3xf32>
    %sub3A_115 = arith.subf %min3A_101, %sub3A_114 : vector<512x3xf32>
    %mul3A_116 = arith.constant 4.000000e+00 : f32
    %mul3A_117 = vector.broadcast %mul3A_116 : f32 to vector<512x3xf32>
    %mul3A_118 = arith.mulf %sub3A_115, %mul3A_117 : vector<512x3xf32>
    %floor3A = math.floor %mul3A_118 : vector<512x3xf32>
    %slice3A_119 = vector.extract_strided_slice %floor3A {offsets = [0, 0], sizes = [512, 1], strides = [1, 1]} : vector<512x3xf32> to vector<512x1xf32>
    %mul3A_120 = arith.constant 4.096000e+03 : f32
    %mul3A_121 = vector.broadcast %mul3A_120 : f32 to vector<512x1xf32>
    %mul3A_122 = arith.mulf %slice3A_119, %mul3A_121 : vector<512x1xf32>
    %slice3A_123 = vector.extract_strided_slice %floor3A {offsets = [0, 1], sizes = [512, 1], strides = [1, 1]} : vector<512x3xf32> to vector<512x1xf32>
    %mul3A_124 = arith.constant 6.400000e+01 : f32
    %mul3A_125 = vector.broadcast %mul3A_124 : f32 to vector<512x1xf32>
    %mul3A_126 = arith.mulf %slice3A_123, %mul3A_125 : vector<512x1xf32>
    %add3A_127 = arith.addf %mul3A_122, %mul3A_126 : vector<512x1xf32>
    %slice3A_128 = vector.extract_strided_slice %floor3A {offsets = [0, 2], sizes = [512, 1], strides = [1, 1]} : vector<512x3xf32> to vector<512x1xf32>
    %add3A_129 = arith.addf %add3A_127, %slice3A_128 : vector<512x1xf32>
    %mul3A_130 = arith.constant 2.621440e+05 : f32
    %mul3A_131 = vector.broadcast %mul3A_130 : f32 to vector<512x1xf32>
    %mul3A_132 = arith.mulf %sub3A_105, %mul3A_131 : vector<512x1xf32>
    %add3A_133 = arith.addf %add3A_129, %mul3A_132 : vector<512x1xf32>
    %transpose3A = tpu.transpose %add3A_133, [1, 0] : vector<512x1xf32> -> vector<1x512xf32>
    %eq3A_134 = vector.broadcast %add3A_133 : vector<512x1xf32> to vector<512x512xf32>
    %eq3A_135 = vector.broadcast %transpose3A : vector<1x512xf32> to vector<512x512xf32>
    %eq3A_136 = arith.cmpf oeq, %eq3A_134, %eq3A_135 : vector<512x512xf32>
    %convert_element_type3A_137 = arith.extui %eq3A_136 : vector<512x512xi1> to vector<512x512xi32>
    %convert_element_type3A_138 = arith.sitofp %convert_element_type3A_137 : vector<512x512xi32> to vector<512x512xf32>
    %convert_element_type3A_139 = arith.truncf %convert_element_type3A_138 : vector<512x512xf32> to vector<512x512xbf16>
    %concatenate3A_140 = tpu.concatenate %min3A_101, %broadcast_in_dim3A_113 in 1 : vector<512x3xf32>, vector<512x1xf32> -> vector<512x4xf32>
    %convert_element_type3A_141 = arith.truncf %concatenate3A_140 : vector<512x4xf32> to vector<512x4xbf16>
    %convert_element_type3A_142 = arith.extf %convert_element_type3A_141 : vector<512x4xbf16> to vector<512x4xf32>
    %sub3A_143 = arith.subf %concatenate3A_140, %convert_element_type3A_142 : vector<512x4xf32>
    %convert_element_type3A_144 = arith.truncf %sub3A_143 : vector<512x4xf32> to vector<512x4xbf16>
    %convert_element_type3A_145 = arith.extf %convert_element_type3A_144 : vector<512x4xbf16> to vector<512x4xf32>
    %sub3A_146 = arith.subf %sub3A_143, %convert_element_type3A_145 : vector<512x4xf32>
    %convert_element_type3A_147 = arith.truncf %sub3A_146 : vector<512x4xf32> to vector<512x4xbf16>
    %concatenate3A_148 = tpu.concatenate %convert_element_type3A_141, %convert_element_type3A_144, %convert_element_type3A_147 in 1 : vector<512x4xbf16>, vector<512x4xbf16>, vector<512x4xbf16> -> vector<512x12xbf16>
    %dot_general3A = arith.constant dense<0.000000e+00> : vector<512x12xf32>
    %dot_general3A_149 = tpu.matmul %convert_element_type3A_139, %concatenate3A_148, %dot_general3A {dimension_numbers = #tpu.dot_dimension_numbers<[1], [0], [0], [1], [0, 0, 1, 1], [], []>, transpose_lhs_hint = false} : vector<512x512xbf16>, vector<512x12xbf16>, vector<512x12xf32> -> vector<512x12xf32>
    %slice3A_150 = vector.extract_strided_slice %dot_general3A_149 {offsets = [0, 0], sizes = [512, 4], strides = [1, 1]} : vector<512x12xf32> to vector<512x4xf32>
    %slice3A_151 = vector.extract_strided_slice %dot_general3A_149 {offsets = [0, 4], sizes = [512, 4], strides = [1, 1]} : vector<512x12xf32> to vector<512x4xf32>
    %add3A_152 = arith.addf %slice3A_150, %slice3A_151 : vector<512x4xf32>
    %slice3A_153 = vector.extract_strided_slice %dot_general3A_149 {offsets = [0, 8], sizes = [512, 4], strides = [1, 1]} : vector<512x12xf32> to vector<512x4xf32>
    %add3A_154 = arith.addf %add3A_152, %slice3A_153 : vector<512x4xf32>
    %slice3A_155 = vector.extract_strided_slice %add3A_154 {offsets = [0, 3], sizes = [512, 1], strides = [1, 1]} : vector<512x4xf32> to vector<512x1xf32>
    %slice3A_156 = vector.extract_strided_slice %add3A_154 {offsets = [0, 0], sizes = [512, 3], strides = [1, 1]} : vector<512x4xf32> to vector<512x3xf32>
    %div3A = vector.broadcast %slice3A_155 : vector<512x1xf32> to vector<512x3xf32>
    %div3A_157 = arith.divf %slice3A_156, %div3A : vector<512x3xf32>
    %sub3A_158 = arith.subf %min3A_101, %div3A_157 : vector<512x3xf32>
    %concatenate3A_159 = tpu.concatenate %slice3A_102, %sub3A_158 in 1 : vector<512x1xf32>, vector<512x3xf32> -> vector<512x4xf32>
    %convert_element_type3A_160 = arith.truncf %concatenate3A_159 : vector<512x4xf32> to vector<512x4xbf16>
    %convert_element_type3A_161 = arith.extf %convert_element_type3A_160 : vector<512x4xbf16> to vector<512x4xf32>
    %sub3A_162 = arith.subf %concatenate3A_159, %convert_element_type3A_161 : vector<512x4xf32>
    %convert_element_type3A_163 = arith.truncf %sub3A_162 : vector<512x4xf32> to vector<512x4xbf16>
    %concatenate3A_164 = tpu.concatenate %convert_element_type3A_160, %convert_element_type3A_160, %convert_element_type3A_163 in 1 : vector<512x4xbf16>, vector<512x4xbf16>, vector<512x4xbf16> -> vector<512x12xbf16>
    %dot_general3A_165 = arith.constant dense<0.000000e+00> : vector<512x16xf32>
    %dot_general3A_166 = tpu.matmul %concatenate3A_164, %get3A_1, %dot_general3A_165 {dimension_numbers = #tpu.dot_dimension_numbers<[1], [0], [0], [1], [0, 0, 1, 1], [], []>, transpose_lhs_hint = false} : vector<512x12xbf16>, vector<12x16xbf16>, vector<512x16xf32> -> vector<512x16xf32>
    %add3A_167 = vector.broadcast %get3A_4 : vector<1x16xf32> to vector<512x16xf32>
    %add3A_168 = arith.addf %dot_general3A_166, %add3A_167 : vector<512x16xf32>
    %gt3A = arith.constant 0.000000e+00 : f32
    %gt3A_169 = vector.broadcast %gt3A : f32 to vector<512x16xf32>
    %gt3A_170 = arith.cmpf ogt, %add3A_168, %gt3A_169 : vector<512x16xf32>
    %min3A_171 = arith.constant 0.000000e+00 : f32
    %min3A_172 = vector.broadcast %min3A_171 : f32 to vector<512x16xf32>
    %min3A_173 = arith.minimumf %add3A_168, %min3A_172 : vector<512x16xf32>
    %exp3A = math.exp %min3A_173 : vector<512x16xf32>
    %sub3A_174 = arith.constant 1.000000e+00 : f32
    %sub3A_175 = vector.broadcast %sub3A_174 : f32 to vector<512x16xf32>
    %sub3A_176 = arith.subf %exp3A, %sub3A_175 : vector<512x16xf32>
    %select_n3A = arith.select %gt3A_170, %add3A_168, %sub3A_176 : vector<512x16xi1>, vector<512x16xf32>
    %convert_element_type3A_177 = arith.truncf %select_n3A : vector<512x16xf32> to vector<512x16xbf16>
    %convert_element_type3A_178 = arith.extf %convert_element_type3A_177 : vector<512x16xbf16> to vector<512x16xf32>
    %sub3A_179 = arith.subf %select_n3A, %convert_element_type3A_178 : vector<512x16xf32>
    %convert_element_type3A_180 = arith.truncf %sub3A_179 : vector<512x16xf32> to vector<512x16xbf16>
    %concatenate3A_181 = tpu.concatenate %convert_element_type3A_177, %convert_element_type3A_180 in 1 : vector<512x16xbf16>, vector<512x16xbf16> -> vector<512x32xbf16>
    %dot_general3A_182 = arith.constant dense<0.000000e+00> : vector<512x32xf32>
    %dot_general3A_183 = tpu.matmul %convert_element_type3A_139, %concatenate3A_181, %dot_general3A_182 {dimension_numbers = #tpu.dot_dimension_numbers<[1], [0], [0], [1], [0, 0, 1, 1], [], []>, transpose_lhs_hint = false} : vector<512x512xbf16>, vector<512x32xbf16>, vector<512x32xf32> -> vector<512x32xf32>
    %slice3A_184 = vector.extract_strided_slice %dot_general3A_183 {offsets = [0, 0], sizes = [512, 16], strides = [1, 1]} : vector<512x32xf32> to vector<512x16xf32>
    %slice3A_185 = vector.extract_strided_slice %dot_general3A_183 {offsets = [0, 16], sizes = [512, 16], strides = [1, 1]} : vector<512x32xf32> to vector<512x16xf32>
    %add3A_186 = arith.addf %slice3A_184, %slice3A_185 : vector<512x16xf32>
    %div3A_187 = vector.broadcast %slice3A_155 : vector<512x1xf32> to vector<512x16xf32>
    %div3A_188 = arith.divf %add3A_186, %div3A_187 : vector<512x16xf32>
    %convert_element_type3A_189 = arith.truncf %div3A_188 : vector<512x16xf32> to vector<512x16xbf16>
    %convert_element_type3A_190 = arith.extf %convert_element_type3A_189 : vector<512x16xbf16> to vector<512x16xf32>
    %sub3A_191 = arith.subf %div3A_188, %convert_element_type3A_190 : vector<512x16xf32>
    %convert_element_type3A_192 = arith.truncf %sub3A_191 : vector<512x16xf32> to vector<512x16xbf16>
    %concatenate3A_193 = tpu.concatenate %convert_element_type3A_189, %convert_element_type3A_189, %convert_element_type3A_192 in 1 : vector<512x16xbf16>, vector<512x16xbf16>, vector<512x16xbf16> -> vector<512x48xbf16>
    %dot_general3A_194 = arith.constant dense<0.000000e+00> : vector<512x32xf32>
    %dot_general3A_195 = tpu.matmul %concatenate3A_193, %get3A_7, %dot_general3A_194 {dimension_numbers = #tpu.dot_dimension_numbers<[1], [0], [0], [1], [0, 0, 1, 1], [], []>, transpose_lhs_hint = false} : vector<512x48xbf16>, vector<48x32xbf16>, vector<512x32xf32> -> vector<512x32xf32>
    %add3A_196 = vector.broadcast %get3A_10 : vector<1x32xf32> to vector<512x32xf32>
    %add3A_197 = arith.addf %dot_general3A_195, %add3A_196 : vector<512x32xf32>
    %gt3A_198 = arith.constant 0.000000e+00 : f32
    %gt3A_199 = vector.broadcast %gt3A_198 : f32 to vector<512x32xf32>
    %gt3A_200 = arith.cmpf ogt, %add3A_197, %gt3A_199 : vector<512x32xf32>
    %min3A_201 = arith.constant 0.000000e+00 : f32
    %min3A_202 = vector.broadcast %min3A_201 : f32 to vector<512x32xf32>
    %min3A_203 = arith.minimumf %add3A_197, %min3A_202 : vector<512x32xf32>
    %exp3A_204 = math.exp %min3A_203 : vector<512x32xf32>
    %sub3A_205 = arith.constant 1.000000e+00 : f32
    %sub3A_206 = vector.broadcast %sub3A_205 : f32 to vector<512x32xf32>
    %sub3A_207 = arith.subf %exp3A_204, %sub3A_206 : vector<512x32xf32>
    %select_n3A_208 = arith.select %gt3A_200, %add3A_197, %sub3A_207 : vector<512x32xi1>, vector<512x32xf32>
    %reduce_sum3A = arith.constant dense<0.000000e+00> : vector<512xf32>
    %reduce_sum3A_209 = vector.multi_reduction <add>, %select_n3A_208, %reduce_sum3A [1] : vector<512x32xf32> to vector<512xf32>
    %broadcast_in_dim3A_210 = vector.shape_cast %reduce_sum3A_209 : vector<512xf32> to vector<512x1xf32>
    %div3A_211 = arith.constant 3.200000e+01 : f32
    %div3A_212 = vector.broadcast %div3A_211 : f32 to vector<512x1xf32>
    %div3A_213 = arith.divf %broadcast_in_dim3A_210, %div3A_212 : vector<512x1xf32>
    %jit3A = arith.constant 0 : i32
    %reduce_sum3A_214 = arith.constant dense<0.000000e+00> : vector<512xf32>
    %reduce_sum3A_215 = vector.multi_reduction <add>, %select_n3A_208, %reduce_sum3A_214 [1] : vector<512x32xf32> to vector<512xf32>
    %broadcast_in_dim3A_216 = vector.shape_cast %reduce_sum3A_215 : vector<512xf32> to vector<512x1xf32>
    %div3A_217 = arith.constant 3.200000e+01 : f32
    %div3A_218 = vector.broadcast %div3A_217 : f32 to vector<512x1xf32>
    %div3A_219 = arith.divf %broadcast_in_dim3A_216, %div3A_218 : vector<512x1xf32>
    %sub3A_220 = vector.broadcast %div3A_219 : vector<512x1xf32> to vector<512x32xf32>
    %sub3A_221 = arith.subf %select_n3A_208, %sub3A_220 : vector<512x32xf32>
    %square3A = arith.mulf %sub3A_221, %sub3A_221 : vector<512x32xf32>
    %convert_element_type3A_222 = arith.sitofp %jit3A : i32 to f32
    %sub3A_223 = arith.constant 3.200000e+01 : f32
    %sub3A_224 = arith.subf %sub3A_223, %convert_element_type3A_222 : f32
    %reduce_sum3A_225 = arith.constant dense<0.000000e+00> : vector<512xf32>
    %reduce_sum3A_226 = vector.multi_reduction <add>, %square3A, %reduce_sum3A_225 [1] : vector<512x32xf32> to vector<512xf32>
    %broadcast_in_dim3A_227 = vector.shape_cast %reduce_sum3A_226 : vector<512xf32> to vector<512x1xf32>
    %div3A_228 = vector.broadcast %sub3A_224 : f32 to vector<512x1xf32>
    %div3A_229 = arith.divf %broadcast_in_dim3A_227, %div3A_228 : vector<512x1xf32>
    %gt3A_230 = arith.constant 0.000000e+00 : f32
    %gt3A_231 = arith.cmpf ogt, %sub3A_224, %gt3A_230 : f32
    %jit3A_232 = arith.constant 0x7FC00000 : f32
    %broadcast_in_dim3A_233 = vector.broadcast %jit3A_232 : f32 to vector<512x1xf32>
    %select_n3A_234 = arith.select %gt3A_231, %div3A_229, %broadcast_in_dim3A_233 : vector<512x1xf32>
    %sub3A_235 = vector.broadcast %div3A_213 : vector<512x1xf32> to vector<512x32xf32>
    %sub3A_236 = arith.subf %select_n3A_208, %sub3A_235 : vector<512x32xf32>
    %add3A_237 = arith.constant 9.99999974E-6 : f32
    %add3A_238 = vector.broadcast %add3A_237 : f32 to vector<512x1xf32>
    %add3A_239 = arith.addf %select_n3A_234, %add3A_238 : vector<512x1xf32>
    %sqrt3A = math.sqrt %add3A_239 : vector<512x1xf32>
    %div3A_240 = vector.broadcast %sqrt3A : vector<512x1xf32> to vector<512x32xf32>
    %div3A_241 = arith.divf %sub3A_236, %div3A_240 : vector<512x32xf32>
    %mul3A_242 = vector.broadcast %get3A_13 : vector<1x32xf32> to vector<512x32xf32>
    %mul3A_243 = arith.mulf %div3A_241, %mul3A_242 : vector<512x32xf32>
    %add3A_244 = vector.broadcast %get3A_16 : vector<1x32xf32> to vector<512x32xf32>
    %add3A_245 = arith.addf %mul3A_243, %add3A_244 : vector<512x32xf32>
    %sub3A_246 = vector.broadcast %sub3A_91 : vector<1x3xf32> to vector<512x3xf32>
    %sub3A_247 = arith.subf %div3A_157, %sub3A_246 : vector<512x3xf32>
    %mul3A_248 = arith.constant 2.000000e+00 : f32
    %mul3A_249 = vector.broadcast %mul3A_248 : f32 to vector<512x3xf32>
    %mul3A_250 = arith.mulf %sub3A_247, %mul3A_249 : vector<512x3xf32>
    %floor3A_251 = math.floor %mul3A_250 : vector<512x3xf32>
    %slice3A_252 = vector.extract_strided_slice %floor3A_251 {offsets = [0, 0], sizes = [512, 1], strides = [1, 1]} : vector<512x3xf32> to vector<512x1xf32>
    %mul3A_253 = arith.constant 4.096000e+03 : f32
    %mul3A_254 = vector.broadcast %mul3A_253 : f32 to vector<512x1xf32>
    %mul3A_255 = arith.mulf %slice3A_252, %mul3A_254 : vector<512x1xf32>
    %slice3A_256 = vector.extract_strided_slice %floor3A_251 {offsets = [0, 1], sizes = [512, 1], strides = [1, 1]} : vector<512x3xf32> to vector<512x1xf32>
    %mul3A_257 = arith.constant 6.400000e+01 : f32
    %mul3A_258 = vector.broadcast %mul3A_257 : f32 to vector<512x1xf32>
    %mul3A_259 = arith.mulf %slice3A_256, %mul3A_258 : vector<512x1xf32>
    %add3A_260 = arith.addf %mul3A_255, %mul3A_259 : vector<512x1xf32>
    %slice3A_261 = vector.extract_strided_slice %floor3A_251 {offsets = [0, 2], sizes = [512, 1], strides = [1, 1]} : vector<512x3xf32> to vector<512x1xf32>
    %add3A_262 = arith.addf %add3A_260, %slice3A_261 : vector<512x1xf32>
    %mul3A_263 = arith.constant 2.621440e+05 : f32
    %mul3A_264 = vector.broadcast %mul3A_263 : f32 to vector<512x1xf32>
    %mul3A_265 = arith.mulf %sub3A_105, %mul3A_264 : vector<512x1xf32>
    %add3A_266 = arith.addf %add3A_262, %mul3A_265 : vector<512x1xf32>
    %transpose3A_267 = tpu.transpose %add3A_266, [1, 0] : vector<512x1xf32> -> vector<1x512xf32>
    %eq3A_268 = vector.broadcast %add3A_266 : vector<512x1xf32> to vector<512x512xf32>
    %eq3A_269 = vector.broadcast %transpose3A_267 : vector<1x512xf32> to vector<512x512xf32>
    %eq3A_270 = arith.cmpf oeq, %eq3A_268, %eq3A_269 : vector<512x512xf32>
    %convert_element_type3A_271 = arith.extui %eq3A_270 : vector<512x512xi1> to vector<512x512xi32>
    %convert_element_type3A_272 = arith.sitofp %convert_element_type3A_271 : vector<512x512xi32> to vector<512x512xf32>
    %convert_element_type3A_273 = arith.truncf %convert_element_type3A_272 : vector<512x512xf32> to vector<512x512xbf16>
    %div3A_274 = arith.constant 1.000000e+00 : f32
    %div3A_275 = vector.broadcast %div3A_274 : f32 to vector<512x1xf32>
    %div3A_276 = arith.divf %div3A_275, %slice3A_155 : vector<512x1xf32>
    %mul3A_277 = vector.broadcast %div3A_276 : vector<512x1xf32> to vector<512x3xf32>
    %mul3A_278 = arith.mulf %mul3A_277, %div3A_157 : vector<512x3xf32>
    %concatenate3A_279 = tpu.concatenate %div3A_276, %mul3A_278, %broadcast_in_dim3A_113 in 1 : vector<512x1xf32>, vector<512x3xf32>, vector<512x1xf32> -> vector<512x5xf32>
    %convert_element_type3A_280 = arith.truncf %concatenate3A_279 : vector<512x5xf32> to vector<512x5xbf16>
    %convert_element_type3A_281 = arith.extf %convert_element_type3A_280 : vector<512x5xbf16> to vector<512x5xf32>
    %sub3A_282 = arith.subf %concatenate3A_279, %convert_element_type3A_281 : vector<512x5xf32>
    %convert_element_type3A_283 = arith.truncf %sub3A_282 : vector<512x5xf32> to vector<512x5xbf16>
    %concatenate3A_284 = tpu.concatenate %convert_element_type3A_280, %convert_element_type3A_283 in 1 : vector<512x5xbf16>, vector<512x5xbf16> -> vector<512x10xbf16>
    %dot_general3A_285 = arith.constant dense<0.000000e+00> : vector<512x10xf32>
    %dot_general3A_286 = tpu.matmul %convert_element_type3A_273, %concatenate3A_284, %dot_general3A_285 {dimension_numbers = #tpu.dot_dimension_numbers<[1], [0], [0], [1], [0, 0, 1, 1], [], []>, transpose_lhs_hint = false} : vector<512x512xbf16>, vector<512x10xbf16>, vector<512x10xf32> -> vector<512x10xf32>
    %slice3A_287 = vector.extract_strided_slice %dot_general3A_286 {offsets = [0, 0], sizes = [512, 5], strides = [1, 1]} : vector<512x10xf32> to vector<512x5xf32>
    %slice3A_288 = vector.extract_strided_slice %dot_general3A_286 {offsets = [0, 5], sizes = [512, 5], strides = [1, 1]} : vector<512x10xf32> to vector<512x5xf32>
    %add3A_289 = arith.addf %slice3A_287, %slice3A_288 : vector<512x5xf32>
    %slice3A_290 = vector.extract_strided_slice %add3A_289 {offsets = [0, 0], sizes = [512, 1], strides = [1, 1]} : vector<512x5xf32> to vector<512x1xf32>
    %slice3A_291 = vector.extract_strided_slice %add3A_289 {offsets = [0, 1], sizes = [512, 3], strides = [1, 1]} : vector<512x5xf32> to vector<512x3xf32>
    %div3A_292 = vector.broadcast %slice3A_290 : vector<512x1xf32> to vector<512x3xf32>
    %div3A_293 = arith.divf %slice3A_291, %div3A_292 : vector<512x3xf32>
    %slice3A_294 = vector.extract_strided_slice %add3A_289 {offsets = [0, 4], sizes = [512, 1], strides = [1, 1]} : vector<512x5xf32> to vector<512x1xf32>
    %sub3A_295 = arith.subf %div3A_157, %div3A_293 : vector<512x3xf32>
    %concatenate3A_296 = tpu.concatenate %add3A_245, %sub3A_295 in 1 : vector<512x32xf32>, vector<512x3xf32> -> vector<512x35xf32>
    %convert_element_type3A_297 = arith.truncf %concatenate3A_296 : vector<512x35xf32> to vector<512x35xbf16>
    %convert_element_type3A_298 = arith.extf %convert_element_type3A_297 : vector<512x35xbf16> to vector<512x35xf32>
    %sub3A_299 = arith.subf %concatenate3A_296, %convert_element_type3A_298 : vector<512x35xf32>
    %convert_element_type3A_300 = arith.truncf %sub3A_299 : vector<512x35xf32> to vector<512x35xbf16>
    %concatenate3A_301 = tpu.concatenate %convert_element_type3A_297, %convert_element_type3A_297, %convert_element_type3A_300 in 1 : vector<512x35xbf16>, vector<512x35xbf16>, vector<512x35xbf16> -> vector<512x105xbf16>
    %dot_general3A_302 = arith.constant dense<0.000000e+00> : vector<512x64xf32>
    %dot_general3A_303 = tpu.matmul %concatenate3A_301, %get3A_19, %dot_general3A_302 {dimension_numbers = #tpu.dot_dimension_numbers<[1], [0], [0], [1], [0, 0, 1, 1], [], []>, transpose_lhs_hint = false} : vector<512x105xbf16>, vector<105x64xbf16>, vector<512x64xf32> -> vector<512x64xf32>
    %add3A_304 = vector.broadcast %get3A_22 : vector<1x64xf32> to vector<512x64xf32>
    %add3A_305 = arith.addf %dot_general3A_303, %add3A_304 : vector<512x64xf32>
    %gt3A_306 = arith.constant 0.000000e+00 : f32
    %gt3A_307 = vector.broadcast %gt3A_306 : f32 to vector<512x64xf32>
    %gt3A_308 = arith.cmpf ogt, %add3A_305, %gt3A_307 : vector<512x64xf32>
    %min3A_309 = arith.constant 0.000000e+00 : f32
    %min3A_310 = vector.broadcast %min3A_309 : f32 to vector<512x64xf32>
    %min3A_311 = arith.minimumf %add3A_305, %min3A_310 : vector<512x64xf32>
    %exp3A_312 = math.exp %min3A_311 : vector<512x64xf32>
    %sub3A_313 = arith.constant 1.000000e+00 : f32
    %sub3A_314 = vector.broadcast %sub3A_313 : f32 to vector<512x64xf32>
    %sub3A_315 = arith.subf %exp3A_312, %sub3A_314 : vector<512x64xf32>
    %select_n3A_316 = arith.select %gt3A_308, %add3A_305, %sub3A_315 : vector<512x64xi1>, vector<512x64xf32>
    %mul3A_317 = vector.broadcast %div3A_276 : vector<512x1xf32> to vector<512x64xf32>
    %mul3A_318 = arith.mulf %mul3A_317, %select_n3A_316 : vector<512x64xf32>
    %convert_element_type3A_319 = arith.truncf %mul3A_318 : vector<512x64xf32> to vector<512x64xbf16>
    %convert_element_type3A_320 = arith.extf %convert_element_type3A_319 : vector<512x64xbf16> to vector<512x64xf32>
    %sub3A_321 = arith.subf %mul3A_318, %convert_element_type3A_320 : vector<512x64xf32>
    %convert_element_type3A_322 = arith.truncf %sub3A_321 : vector<512x64xf32> to vector<512x64xbf16>
    %concatenate3A_323 = tpu.concatenate %convert_element_type3A_319, %convert_element_type3A_322 in 1 : vector<512x64xbf16>, vector<512x64xbf16> -> vector<512x128xbf16>
    %dot_general3A_324 = arith.constant dense<0.000000e+00> : vector<512x128xf32>
    %dot_general3A_325 = tpu.matmul %convert_element_type3A_273, %concatenate3A_323, %dot_general3A_324 {dimension_numbers = #tpu.dot_dimension_numbers<[1], [0], [0], [1], [0, 0, 1, 1], [], []>, transpose_lhs_hint = false} : vector<512x512xbf16>, vector<512x128xbf16>, vector<512x128xf32> -> vector<512x128xf32>
    %slice3A_326 = vector.extract_strided_slice %dot_general3A_325 {offsets = [0, 0], sizes = [512, 64], strides = [1, 1]} : vector<512x128xf32> to vector<512x64xf32>
    %slice3A_327 = vector.extract_strided_slice %dot_general3A_325 {offsets = [0, 64], sizes = [512, 64], strides = [1, 1]} : vector<512x128xf32> to vector<512x64xf32>
    %add3A_328 = arith.addf %slice3A_326, %slice3A_327 : vector<512x64xf32>
    %div3A_329 = vector.broadcast %slice3A_290 : vector<512x1xf32> to vector<512x64xf32>
    %div3A_330 = arith.divf %add3A_328, %div3A_329 : vector<512x64xf32>
    %convert_element_type3A_331 = arith.truncf %div3A_330 : vector<512x64xf32> to vector<512x64xbf16>
    %convert_element_type3A_332 = arith.extf %convert_element_type3A_331 : vector<512x64xbf16> to vector<512x64xf32>
    %sub3A_333 = arith.subf %div3A_330, %convert_element_type3A_332 : vector<512x64xf32>
    %convert_element_type3A_334 = arith.truncf %sub3A_333 : vector<512x64xf32> to vector<512x64xbf16>
    %concatenate3A_335 = tpu.concatenate %convert_element_type3A_331, %convert_element_type3A_331, %convert_element_type3A_334 in 1 : vector<512x64xbf16>, vector<512x64xbf16>, vector<512x64xbf16> -> vector<512x192xbf16>
    %dot_general3A_336 = arith.constant dense<0.000000e+00> : vector<512x128xf32>
    %dot_general3A_337 = tpu.matmul %concatenate3A_335, %get3A_25, %dot_general3A_336 {dimension_numbers = #tpu.dot_dimension_numbers<[1], [0], [0], [1], [0, 0, 1, 1], [], []>, transpose_lhs_hint = false} : vector<512x192xbf16>, vector<192x128xbf16>, vector<512x128xf32> -> vector<512x128xf32>
    %add3A_338 = vector.broadcast %get3A_28 : vector<1x128xf32> to vector<512x128xf32>
    %add3A_339 = arith.addf %dot_general3A_337, %add3A_338 : vector<512x128xf32>
    %gt3A_340 = arith.constant 0.000000e+00 : f32
    %gt3A_341 = vector.broadcast %gt3A_340 : f32 to vector<512x128xf32>
    %gt3A_342 = arith.cmpf ogt, %add3A_339, %gt3A_341 : vector<512x128xf32>
    %min3A_343 = arith.constant 0.000000e+00 : f32
    %min3A_344 = vector.broadcast %min3A_343 : f32 to vector<512x128xf32>
    %min3A_345 = arith.minimumf %add3A_339, %min3A_344 : vector<512x128xf32>
    %exp3A_346 = math.exp %min3A_345 : vector<512x128xf32>
    %sub3A_347 = arith.constant 1.000000e+00 : f32
    %sub3A_348 = vector.broadcast %sub3A_347 : f32 to vector<512x128xf32>
    %sub3A_349 = arith.subf %exp3A_346, %sub3A_348 : vector<512x128xf32>
    %select_n3A_350 = arith.select %gt3A_342, %add3A_339, %sub3A_349 : vector<512x128xi1>, vector<512x128xf32>
    %reduce_sum3A_351 = arith.constant dense<0.000000e+00> : vector<512xf32>
    %reduce_sum3A_352 = vector.multi_reduction <add>, %select_n3A_350, %reduce_sum3A_351 [1] : vector<512x128xf32> to vector<512xf32>
    %broadcast_in_dim3A_353 = vector.shape_cast %reduce_sum3A_352 : vector<512xf32> to vector<512x1xf32>
    %div3A_354 = arith.constant 1.280000e+02 : f32
    %div3A_355 = vector.broadcast %div3A_354 : f32 to vector<512x1xf32>
    %div3A_356 = arith.divf %broadcast_in_dim3A_353, %div3A_355 : vector<512x1xf32>
    %jit3A_357 = arith.constant 0 : i32
    %reduce_sum3A_358 = arith.constant dense<0.000000e+00> : vector<512xf32>
    %reduce_sum3A_359 = vector.multi_reduction <add>, %select_n3A_350, %reduce_sum3A_358 [1] : vector<512x128xf32> to vector<512xf32>
    %broadcast_in_dim3A_360 = vector.shape_cast %reduce_sum3A_359 : vector<512xf32> to vector<512x1xf32>
    %div3A_361 = arith.constant 1.280000e+02 : f32
    %div3A_362 = vector.broadcast %div3A_361 : f32 to vector<512x1xf32>
    %div3A_363 = arith.divf %broadcast_in_dim3A_360, %div3A_362 : vector<512x1xf32>
    %sub3A_364 = vector.broadcast %div3A_363 : vector<512x1xf32> to vector<512x128xf32>
    %sub3A_365 = arith.subf %select_n3A_350, %sub3A_364 : vector<512x128xf32>
    %square3A_366 = arith.mulf %sub3A_365, %sub3A_365 : vector<512x128xf32>
    %convert_element_type3A_367 = arith.sitofp %jit3A_357 : i32 to f32
    %sub3A_368 = arith.constant 1.280000e+02 : f32
    %sub3A_369 = arith.subf %sub3A_368, %convert_element_type3A_367 : f32
    %reduce_sum3A_370 = arith.constant dense<0.000000e+00> : vector<512xf32>
    %reduce_sum3A_371 = vector.multi_reduction <add>, %square3A_366, %reduce_sum3A_370 [1] : vector<512x128xf32> to vector<512xf32>
    %broadcast_in_dim3A_372 = vector.shape_cast %reduce_sum3A_371 : vector<512xf32> to vector<512x1xf32>
    %div3A_373 = vector.broadcast %sub3A_369 : f32 to vector<512x1xf32>
    %div3A_374 = arith.divf %broadcast_in_dim3A_372, %div3A_373 : vector<512x1xf32>
    %gt3A_375 = arith.constant 0.000000e+00 : f32
    %gt3A_376 = arith.cmpf ogt, %sub3A_369, %gt3A_375 : f32
    %jit3A_377 = arith.constant 0x7FC00000 : f32
    %broadcast_in_dim3A_378 = vector.broadcast %jit3A_377 : f32 to vector<512x1xf32>
    %select_n3A_379 = arith.select %gt3A_376, %div3A_374, %broadcast_in_dim3A_378 : vector<512x1xf32>
    %sub3A_380 = vector.broadcast %div3A_356 : vector<512x1xf32> to vector<512x128xf32>
    %sub3A_381 = arith.subf %select_n3A_350, %sub3A_380 : vector<512x128xf32>
    %add3A_382 = arith.constant 9.99999974E-6 : f32
    %add3A_383 = vector.broadcast %add3A_382 : f32 to vector<512x1xf32>
    %add3A_384 = arith.addf %select_n3A_379, %add3A_383 : vector<512x1xf32>
    %sqrt3A_385 = math.sqrt %add3A_384 : vector<512x1xf32>
    %div3A_386 = vector.broadcast %sqrt3A_385 : vector<512x1xf32> to vector<512x128xf32>
    %div3A_387 = arith.divf %sub3A_381, %div3A_386 : vector<512x128xf32>
    %mul3A_388 = vector.broadcast %get3A_31 : vector<1x128xf32> to vector<512x128xf32>
    %mul3A_389 = arith.mulf %div3A_387, %mul3A_388 : vector<512x128xf32>
    %add3A_390 = vector.broadcast %get3A_34 : vector<1x128xf32> to vector<512x128xf32>
    %add3A_391 = arith.addf %mul3A_389, %add3A_390 : vector<512x128xf32>
    %concatenate3A_392 = tpu.concatenate %add3A_391, %div3A_293 in 1 : vector<512x128xf32>, vector<512x3xf32> -> vector<512x131xf32>
    %convert_element_type3A_393 = arith.truncf %concatenate3A_392 : vector<512x131xf32> to vector<512x131xbf16>
    %convert_element_type3A_394 = arith.extf %convert_element_type3A_393 : vector<512x131xbf16> to vector<512x131xf32>
    %sub3A_395 = arith.subf %concatenate3A_392, %convert_element_type3A_394 : vector<512x131xf32>
    %convert_element_type3A_396 = arith.truncf %sub3A_395 : vector<512x131xf32> to vector<512x131xbf16>
    %concatenate3A_397 = tpu.concatenate %convert_element_type3A_393, %convert_element_type3A_393, %convert_element_type3A_396 in 1 : vector<512x131xbf16>, vector<512x131xbf16>, vector<512x131xbf16> -> vector<512x393xbf16>
    %dot_general3A_398 = arith.constant dense<0.000000e+00> : vector<512x128xf32>
    %dot_general3A_399 = tpu.matmul %concatenate3A_397, %get3A_37, %dot_general3A_398 {dimension_numbers = #tpu.dot_dimension_numbers<[1], [0], [0], [1], [0, 0, 1, 1], [], []>, transpose_lhs_hint = false} : vector<512x393xbf16>, vector<393x128xbf16>, vector<512x128xf32> -> vector<512x128xf32>
    %add3A_400 = vector.broadcast %get3A_40 : vector<1x128xf32> to vector<512x128xf32>
    %add3A_401 = arith.addf %dot_general3A_399, %add3A_400 : vector<512x128xf32>
    %gt3A_402 = arith.constant 0.000000e+00 : f32
    %gt3A_403 = vector.broadcast %gt3A_402 : f32 to vector<512x128xf32>
    %gt3A_404 = arith.cmpf ogt, %add3A_401, %gt3A_403 : vector<512x128xf32>
    %min3A_405 = arith.constant 0.000000e+00 : f32
    %min3A_406 = vector.broadcast %min3A_405 : f32 to vector<512x128xf32>
    %min3A_407 = arith.minimumf %add3A_401, %min3A_406 : vector<512x128xf32>
    %exp3A_408 = math.exp %min3A_407 : vector<512x128xf32>
    %sub3A_409 = arith.constant 1.000000e+00 : f32
    %sub3A_410 = vector.broadcast %sub3A_409 : f32 to vector<512x128xf32>
    %sub3A_411 = arith.subf %exp3A_408, %sub3A_410 : vector<512x128xf32>
    %select_n3A_412 = arith.select %gt3A_404, %add3A_401, %sub3A_411 : vector<512x128xi1>, vector<512x128xf32>
    %div3A_413 = arith.divf %convert_element_type3A_111, %slice3A_294 : vector<512x1xf32>
    %iota3A = tpu.iota {dimensions = array<i32: 1>} : vector<1x4xi32>
    %convert_element_type3A_414 = arith.sitofp %iota3A : vector<1x4xi32> to vector<1x4xf32>
    %eq3A_415 = vector.broadcast %sub3A_105 : vector<512x1xf32> to vector<512x4xf32>
    %eq3A_416 = vector.broadcast %convert_element_type3A_414 : vector<1x4xf32> to vector<512x4xf32>
    %eq3A_417 = arith.cmpf oeq, %eq3A_415, %eq3A_416 : vector<512x4xf32>
    %convert_element_type3A_418 = arith.extui %eq3A_417 : vector<512x4xi1> to vector<512x4xi32>
    %convert_element_type3A_419 = arith.sitofp %convert_element_type3A_418 : vector<512x4xi32> to vector<512x4xf32>
    %mul3A_420 = vector.broadcast %div3A_413 : vector<512x1xf32> to vector<512x4xf32>
    %mul3A_421 = arith.mulf %mul3A_420, %convert_element_type3A_419 : vector<512x4xf32>
    %concatenate3A_422 = tpu.concatenate %select_n3A_412, %convert_element_type3A_111 in 1 : vector<512x128xf32>, vector<512x1xf32> -> vector<512x129xf32>
    %convert_element_type3A_423 = arith.truncf %mul3A_421 : vector<512x4xf32> to vector<512x4xbf16>
    %convert_element_type3A_424 = arith.extf %convert_element_type3A_423 : vector<512x4xbf16> to vector<512x4xf32>
    %sub3A_425 = arith.subf %mul3A_421, %convert_element_type3A_424 : vector<512x4xf32>
    %convert_element_type3A_426 = arith.truncf %sub3A_425 : vector<512x4xf32> to vector<512x4xbf16>
    %convert_element_type3A_427 = arith.truncf %concatenate3A_422 : vector<512x129xf32> to vector<512x129xbf16>
    %convert_element_type3A_428 = arith.extf %convert_element_type3A_427 : vector<512x129xbf16> to vector<512x129xf32>
    %sub3A_429 = arith.subf %concatenate3A_422, %convert_element_type3A_428 : vector<512x129xf32>
    %convert_element_type3A_430 = arith.truncf %sub3A_429 : vector<512x129xf32> to vector<512x129xbf16>
    %concatenate3A_431 = tpu.concatenate %convert_element_type3A_423, %convert_element_type3A_423, %convert_element_type3A_426 in 0 : vector<512x4xbf16>, vector<512x4xbf16>, vector<512x4xbf16> -> vector<1536x4xbf16>
    %concatenate3A_432 = tpu.concatenate %convert_element_type3A_427, %convert_element_type3A_430, %convert_element_type3A_427 in 0 : vector<512x129xbf16>, vector<512x129xbf16>, vector<512x129xbf16> -> vector<1536x129xbf16>
    %dot_general3A_433 = arith.constant dense<0.000000e+00> : vector<4x129xf32>
    %dot_general3A_434 = tpu.matmul %concatenate3A_431, %concatenate3A_432, %dot_general3A_433 {dimension_numbers = #tpu.dot_dimension_numbers<[0], [0], [1], [1], [0, 1, 1, 1], [], []>, transpose_lhs_hint = false} : vector<1536x4xbf16>, vector<1536x129xbf16>, vector<4x129xf32> -> vector<4x129xf32>
    %slice3A_435 = vector.extract_strided_slice %dot_general3A_434 {offsets = [0, 0], sizes = [4, 128], strides = [1, 1]} : vector<4x129xf32> to vector<4x128xf32>
    %slice3A_436 = vector.extract_strided_slice %dot_general3A_434 {offsets = [0, 128], sizes = [4, 1], strides = [1, 1]} : vector<4x129xf32> to vector<4x1xf32>
    %max3A = arith.constant 1.000000e+00 : f32
    %max3A_437 = vector.broadcast %max3A : f32 to vector<4x1xf32>
    %max3A_438 = arith.maximumf %slice3A_436, %max3A_437 : vector<4x1xf32>
    %div3A_439 = vector.broadcast %max3A_438 : vector<4x1xf32> to vector<4x128xf32>
    %div3A_440 = arith.divf %slice3A_435, %div3A_439 : vector<4x128xf32>
    %convert_element_type3A_441 = arith.truncf %div3A_440 : vector<4x128xf32> to vector<4x128xbf16>
    %convert_element_type3A_442 = arith.extf %convert_element_type3A_441 : vector<4x128xbf16> to vector<4x128xf32>
    %sub3A_443 = arith.subf %div3A_440, %convert_element_type3A_442 : vector<4x128xf32>
    %convert_element_type3A_444 = arith.truncf %sub3A_443 : vector<4x128xf32> to vector<4x128xbf16>
    %concatenate3A_445 = tpu.concatenate %convert_element_type3A_441, %convert_element_type3A_441, %convert_element_type3A_444 in 1 : vector<4x128xbf16>, vector<4x128xbf16>, vector<4x128xbf16> -> vector<4x384xbf16>
    %dot_general3A_446 = arith.constant dense<0.000000e+00> : vector<4x256xf32>
    %dot_general3A_447 = tpu.matmul %concatenate3A_445, %get3A_43, %dot_general3A_446 {dimension_numbers = #tpu.dot_dimension_numbers<[1], [0], [0], [1], [0, 0, 1, 1], [], []>, transpose_lhs_hint = false} : vector<4x384xbf16>, vector<384x256xbf16>, vector<4x256xf32> -> vector<4x256xf32>
    %add3A_448 = vector.broadcast %get3A_46 : vector<1x256xf32> to vector<4x256xf32>
    %add3A_449 = arith.addf %dot_general3A_447, %add3A_448 : vector<4x256xf32>
    %gt3A_450 = arith.constant 0.000000e+00 : f32
    %gt3A_451 = vector.broadcast %gt3A_450 : f32 to vector<4x256xf32>
    %gt3A_452 = arith.cmpf ogt, %add3A_449, %gt3A_451 : vector<4x256xf32>
    %min3A_453 = arith.constant 0.000000e+00 : f32
    %min3A_454 = vector.broadcast %min3A_453 : f32 to vector<4x256xf32>
    %min3A_455 = arith.minimumf %add3A_449, %min3A_454 : vector<4x256xf32>
    %exp3A_456 = math.exp %min3A_455 : vector<4x256xf32>
    %sub3A_457 = arith.constant 1.000000e+00 : f32
    %sub3A_458 = vector.broadcast %sub3A_457 : f32 to vector<4x256xf32>
    %sub3A_459 = arith.subf %exp3A_456, %sub3A_458 : vector<4x256xf32>
    %select_n3A_460 = arith.select %gt3A_452, %add3A_449, %sub3A_459 : vector<4x256xi1>, vector<4x256xf32>
    %convert_element_type3A_461 = arith.truncf %select_n3A_460 : vector<4x256xf32> to vector<4x256xbf16>
    %convert_element_type3A_462 = arith.extf %convert_element_type3A_461 : vector<4x256xbf16> to vector<4x256xf32>
    %sub3A_463 = arith.subf %select_n3A_460, %convert_element_type3A_462 : vector<4x256xf32>
    %convert_element_type3A_464 = arith.truncf %sub3A_463 : vector<4x256xf32> to vector<4x256xbf16>
    %concatenate3A_465 = tpu.concatenate %convert_element_type3A_461, %convert_element_type3A_461, %convert_element_type3A_464 in 1 : vector<4x256xbf16>, vector<4x256xbf16>, vector<4x256xbf16> -> vector<4x768xbf16>
    %dot_general3A_466 = arith.constant dense<0.000000e+00> : vector<4x256xf32>
    %dot_general3A_467 = tpu.matmul %concatenate3A_465, %get3A_49, %dot_general3A_466 {dimension_numbers = #tpu.dot_dimension_numbers<[1], [0], [0], [1], [0, 0, 1, 1], [], []>, transpose_lhs_hint = false} : vector<4x768xbf16>, vector<768x256xbf16>, vector<4x256xf32> -> vector<4x256xf32>
    %add3A_468 = vector.broadcast %get3A_52 : vector<1x256xf32> to vector<4x256xf32>
    %add3A_469 = arith.addf %dot_general3A_467, %add3A_468 : vector<4x256xf32>
    %swap3A = arith.constant 0 : index
    %swap3A_470 = arith.constant 0 : index
    %swap3A_471 = arith.constant 0 : index
    %swap3A_472 = vector.load %arg22[%swap3A, %swap3A_470, %swap3A_471] : memref<1x4x256xf32, #tpu.memory_space<vmem>>, vector<1x4x256xf32>
    %swap3A_473 = vector.shape_cast %swap3A_472 : vector<1x4x256xf32> to vector<4x256xf32>
    %swap3A_474 = vector.shape_cast %add3A_469 : vector<4x256xf32> to vector<1x4x256xf32>
    tpu.vector_store %arg22[%swap3A, %swap3A_470, %swap3A_471], %swap3A_474 {strides = array<i32>} : memref<1x4x256xf32, #tpu.memory_space<vmem>>, vector<1x4x256xf32>,
    return
  }
  func.func @transform_1(%arg0: i32, %arg1: memref<1024xi32, #tpu.memory_space<smem>>) -> (i32, i32) {
    %c0_i32 = arith.constant 0 : i32
    %c0_i32_0 = arith.constant 0 : i32
    %c0_i32_1 = arith.constant 0 : i32
    return %c0_i32, %c0_i32_0 : i32, i32
  }
  func.func @transform_2(%arg0: i32, %arg1: memref<1024xi32, #tpu.memory_space<smem>>) -> (i32, i32) {
    %c0_i32 = arith.constant 0 : i32
    %c0_i32_0 = arith.constant 0 : i32
    %c0_i32_1 = arith.constant 0 : i32
    return %c0_i32, %c0_i32_0 : i32, i32
  }
  func.func @transform_3(%arg0: i32, %arg1: memref<1024xi32, #tpu.memory_space<smem>>) -> (i32, i32) {
    %c0_i32 = arith.constant 0 : i32
    %c0_i32_0 = arith.constant 0 : i32
    %c0_i32_1 = arith.constant 0 : i32
    return %c0_i32, %c0_i32_0 : i32, i32
  }
  func.func @transform_4(%arg0: i32, %arg1: memref<1024xi32, #tpu.memory_space<smem>>) -> (i32, i32) {
    %c0_i32 = arith.constant 0 : i32
    %c0_i32_0 = arith.constant 0 : i32
    %c0_i32_1 = arith.constant 0 : i32
    return %c0_i32, %c0_i32_0 : i32, i32
  }
  func.func @transform_5(%arg0: i32, %arg1: memref<1024xi32, #tpu.memory_space<smem>>) -> (i32, i32) {
    %c0_i32 = arith.constant 0 : i32
    %c0_i32_0 = arith.constant 0 : i32
    %c0_i32_1 = arith.constant 0 : i32
    return %c0_i32, %c0_i32_0 : i32, i32
  }
  func.func @transform_6(%arg0: i32, %arg1: memref<1024xi32, #tpu.memory_space<smem>>) -> (i32, i32) {
    %c0_i32 = arith.constant 0 : i32
    %c0_i32_0 = arith.constant 0 : i32
    %c0_i32_1 = arith.constant 0 : i32
    return %c0_i32, %c0_i32_0 : i32, i32
  }
  func.func @transform_7(%arg0: i32, %arg1: memref<1024xi32, #tpu.memory_space<smem>>) -> (i32, i32) {
    %c0_i32 = arith.constant 0 : i32
    %c0_i32_0 = arith.constant 0 : i32
    %c0_i32_1 = arith.constant 0 : i32
    return %c0_i32, %c0_i32_0 : i32, i32
  }
  func.func @transform_8(%arg0: i32, %arg1: memref<1024xi32, #tpu.memory_space<smem>>) -> (i32, i32) {
    %c0_i32 = arith.constant 0 : i32
    %c0_i32_0 = arith.constant 0 : i32
    %c0_i32_1 = arith.constant 0 : i32
    return %c0_i32, %c0_i32_0 : i32, i32
  }
  func.func @transform_9(%arg0: i32, %arg1: memref<1024xi32, #tpu.memory_space<smem>>) -> (i32, i32) {
    %c0_i32 = arith.constant 0 : i32
    %c0_i32_0 = arith.constant 0 : i32
    %c0_i32_1 = arith.constant 0 : i32
    return %c0_i32, %c0_i32_0 : i32, i32
  }
  func.func @transform_10(%arg0: i32, %arg1: memref<1024xi32, #tpu.memory_space<smem>>) -> (i32, i32) {
    %c0_i32 = arith.constant 0 : i32
    %c0_i32_0 = arith.constant 0 : i32
    %c0_i32_1 = arith.constant 0 : i32
    return %c0_i32, %c0_i32_0 : i32, i32
  }
  func.func @transform_11(%arg0: i32, %arg1: memref<1024xi32, #tpu.memory_space<smem>>) -> (i32, i32) {
    %c0_i32 = arith.constant 0 : i32
    %c0_i32_0 = arith.constant 0 : i32
    %c0_i32_1 = arith.constant 0 : i32
    return %c0_i32, %c0_i32_0 : i32, i32
  }
  func.func @transform_12(%arg0: i32, %arg1: memref<1024xi32, #tpu.memory_space<smem>>) -> (i32, i32) {
    %c0_i32 = arith.constant 0 : i32
    %c0_i32_0 = arith.constant 0 : i32
    %c0_i32_1 = arith.constant 0 : i32
    return %c0_i32, %c0_i32_0 : i32, i32
  }
  func.func @transform_13(%arg0: i32, %arg1: memref<1024xi32, #tpu.memory_space<smem>>) -> (i32, i32) {
    %c0_i32 = arith.constant 0 : i32
    %c0_i32_0 = arith.constant 0 : i32
    %c0_i32_1 = arith.constant 0 : i32
    return %c0_i32, %c0_i32_0 : i32, i32
  }
  func.func @transform_14(%arg0: i32, %arg1: memref<1024xi32, #tpu.memory_space<smem>>) -> (i32, i32) {
    %c0_i32 = arith.constant 0 : i32
    %c0_i32_0 = arith.constant 0 : i32
    %c0_i32_1 = arith.constant 0 : i32
    return %c0_i32, %c0_i32_0 : i32, i32
  }
  func.func @transform_15(%arg0: i32, %arg1: memref<1024xi32, #tpu.memory_space<smem>>) -> (i32, i32) {
    %c0_i32 = arith.constant 0 : i32
    %c0_i32_0 = arith.constant 0 : i32
    %c0_i32_1 = arith.constant 0 : i32
    return %c0_i32, %c0_i32_0 : i32, i32
  }
  func.func @transform_16(%arg0: i32, %arg1: memref<1024xi32, #tpu.memory_space<smem>>) -> (i32, i32) {
    %c0_i32 = arith.constant 0 : i32
    %c0_i32_0 = arith.constant 0 : i32
    %c0_i32_1 = arith.constant 0 : i32
    return %c0_i32, %c0_i32_0 : i32, i32
  }
  func.func @transform_17(%arg0: i32, %arg1: memref<1024xi32, #tpu.memory_space<smem>>) -> (i32, i32) {
    %c0_i32 = arith.constant 0 : i32
    %c0_i32_0 = arith.constant 0 : i32
    %c0_i32_1 = arith.constant 0 : i32
    return %c0_i32, %c0_i32_0 : i32, i32
  }
  func.func @transform_18(%arg0: i32, %arg1: memref<1024xi32, #tpu.memory_space<smem>>) -> (i32, i32) {
    %c0_i32 = arith.constant 0 : i32
    %c0_i32_0 = arith.constant 0 : i32
    %c0_i32_1 = arith.constant 0 : i32
    return %c0_i32, %c0_i32_0 : i32, i32
  }
  func.func @transform_19(%arg0: i32, %arg1: memref<1024xi32, #tpu.memory_space<smem>>) -> (i32, i32) {
    %c0_i32 = arith.constant 0 : i32
    %c0_i32_0 = arith.constant 0 : i32
    %c0_i32_1 = arith.constant 0 : i32
    return %c0_i32, %c0_i32_0 : i32, i32
  }
  func.func @transform_20(%arg0: i32, %arg1: memref<1024xi32, #tpu.memory_space<smem>>) -> (i32, i32, i32) {
    %c0_i32 = arith.constant 0 : i32
    %c0_i32_0 = arith.constant 0 : i32
    %c0_i32_1 = arith.constant 0 : i32
    return %arg0, %c0_i32, %c0_i32_0 : i32, i32, i32
  }
}

</mosaic_0001>

<sc_bundles>
// kernel: kernel.4.cloned.1.call-start
scs
__scs_entry_jumppad:
0x0: {  	(pc) =	sbr.rel $0x88, $3  }
0x1: {  	(tag) =	ssettag $0x0;
	lr =	simm.s32 $0x1  }
0x2: {  	[smem:$0x3F8C] =	sst lr;
	_ =	strace $0xD0000000  }
0x3: {  	_ = 	snop  }
0x4: {  	_ = 	snop  }
0x5: {  	_ = 	snop  }
0x6: {  	_ = 	snop  }
0x7: {  	_ = 	snop  }
__scs_overlays_trampoline_lowered:
0x8: {  	[smem:$0x3F9B] =	sst s0  }
0x9: {  	[smem:$0x3F9C] =	sst s1  }
0xa: {  	[smem:$0x3F9D] =	sst s2  }
0xb: {  	[smem:$0x3F9E] =	sst s3  }
0xc: {  	[smem:$0x3F9F] =	sst s4  }
0xd: {  	[smem:$0x3FA0] =	sst s5  }
0xe: {  	[smem:$0x3FA1] =	sst s6  }
0xf: {  	[smem:$0x3FA2] =	sst s7  }
0x10: {  	[smem:$0x3FA3] =	sst s8  }
0x11: {  	[smem:$0x3FA4] =	sst s9;
	s0 =	simm.s32 @!p0 $0x0  }
0x12: {  	s1 =	sld [smem:$0x3F8A];
	s0 =	simm.s32 @p0 $0x1  }
0x13: {  	[smem:$0x3FA5] =	sst s0;
	s0 =	simm.s32 @!p1 $0x0  }
0x14: {  	s2 =	sld [smem:$0x3F89];
	s0 =	simm.s32 @p1 $0x1  }
0x15: {  	[smem:$0x3FA6] =	sst s0;
	s0 =	simm.s32 @!p2 $0x0  }
0x16: {  	s3 =	sld [smem:$0x3FDB];
	s0 =	simm.s32 @p2 $0x1  }
0x17: {  	s4 =	simm.s32 $0x1BF5;
	[smem:$0x3FA8] =	sst s0  }
0x18: {  	s0 =	sld [smem:$0x3F8B];
	_ =	swait.ge [sflag:s4], $0x0  }
0x19: {  	s7 =	sld [smem:$0x3F8C]  }
0x1a: {  	s8 =	sadd.s32 $0xFFFFE003, lr  }
0x1b: {  	s9 =	sadd.s32 $0xFFFFFEF7, lr;
	s5 =	simm.s32 $0xFFFFFFFF;
	p2 =	slt.u32 s8, $0xFFFFF086  }
0x1c: {  	p1 =	slt.u32 s9, $0xF7A;
	s5 =	simm.s32 @!p2 $0x0  }
0x1d: {  	s5 =	simm.s32 @p1 $0x1;
	p0 =	seq.s32 s7, s2  }
0x1e: {  	s7 =	smul.u32 @!p0 $0xF7A, s2;
	p2 =	seq.s32 @!p0 s5, $0x0  }
0x1f: {  	s9 =	smul.u32 $0xF7A, s1;
	s8 =	simm.s32 @!p0 $0x1BF5;
	p2 =	por !p2, p0  }
0x20: {  	[sflag:s8] =	ssyncset.s32 @!p0 $0xFFFFF086;
	s6 =	sadd.s32 @!p0 s3, s7;
	s7 =	simm.s32 @!p0 $0x108  }
0x21: {  	s3 =	sadd.s32 s3, s9;
	s6 =	sadd.s32 @!p0 $0x88, s6;
	s7 =	simm.s32 @p2 $0x1082  }
0x22: {  	[simem:s7], [sflag:s8] =	dma.local @!p0 [hbm:s6], $0xF7A  }
0x23: {  	s9 =	sor.u32 $0xD0000000, s2;
	s6 =	simm.s32 $0x108;
	_ =	swait.ge @!p0 [sflag:s8], $0x0  }
0x24: {  	s3 =	sadd.s32 $0x88, s3;
	s6 =	simm.s32 @!p1 $0x1082;
	[sflag:s4] =	ssyncset.s32 $0xFFFFF086  }
0x25: {  	[simem:s6], [sflag:s4] =	dma.local [hbm:s3], $0xF7A  }
0x26: {  	[smem:$0x3F8C] =	sst s1;
	(tag) =	ssettag s2;
	_ =	strace s9  }
0x27: {  	s1 =	sld [smem:$0x3F9C]  }
0x28: {  	s2 =	sld [smem:$0x3F9D]  }
0x29: {  	s4 =	sld [smem:$0x3F9F]  }
0x2a: {  	p0 =	seq.s32 s5, $0x0;
	s5 =	sld [smem:$0x3FA0]  }
0x2b: {  	s6 =	sld [smem:$0x3FA1]  }
0x2c: {  	s7 =	sld [smem:$0x3FA2]  }
0x2d: {  	s3 =	simm.s32 $0x108;
	s8 =	sld [smem:$0x3FA3]  }
0x2e: {  	s3 =	simm.s32 @!p0 $0x1082;
	s9 =	sld [smem:$0x3FA4]  }
0x2f: {  	lr =	sadd.s32 s0, s3;
	s0 =	sld [smem:$0x3F9B]  }
0x30: {  	s3 =	sld [smem:$0x3F9E]  }
0x31: {  	[smem:$0x3FA7] =	sst s10  }
0x32: {  	s10 =	sld [smem:$0x3FA5];
	_ =	sdelay $0x3  }
0x33: {  	p0 =	seq.s32 s10, $0x1;
	s10 =	sld [smem:$0x3FA7];
	_ =	sdelay $0x3  }
0x34: {  	[smem:$0x3FA7] =	sst s10  }
0x35: {  	s10 =	sld [smem:$0x3FA6];
	_ =	sdelay $0x3  }
0x36: {  	p1 =	seq.s32 s10, $0x1;
	s10 =	sld [smem:$0x3FA7];
	_ =	sdelay $0x3  }
0x37: {  	[smem:$0x3FA7] =	sst s10  }
0x38: {  	s10 =	sld [smem:$0x3FA8]  }
0x39: {  	_ = 	snop;
	(pc) =	sbr.ind lr, $3  }
0x3a: {  	_ = 	snop  }
0x3b: {  	_ = 	snop  }
0x3c: {  	p2 =	seq.s32 s10, $0x1;
	s10 =	sld [smem:$0x3FA7]  }
0x3d: {  	_ =	shalt  }
0x3e: {  	_ =	shalt  }
0x3f: {  	_ =	shalt  }
0x40: {  	_ =	shalt  }
0x41: {  	_ =	shalt  }
0x42: {  	_ =	shalt  }
0x43: {  	_ =	shalt  }
0x44: {  	_ =	shalt  }
0x45: {  	_ =	shalt  }
0x46: {  	_ =	shalt  }
0x47: {  	_ =	shalt  }
0x48: {  	_ =	shalt  }
0x49: {  	_ =	shalt  }
0x4a: {  	_ =	shalt  }
0x4b: {  	_ =	shalt  }
0x4c: {  	_ =	shalt  }
0x4d: {  	_ =	shalt  }
0x4e: {  	_ =	shalt  }
0x4f: {  	_ =	shalt  }
0x50: {  	_ =	shalt  }
0x51: {  	_ =	shalt  }
0x52: {  	_ =	shalt  }
0x53: {  	_ =	shalt  }
0x54: {  	_ =	shalt  }
0x55: {  	_ =	shalt  }
0x56: {  	_ =	shalt  }
0x57: {  	_ =	shalt  }
0x58: {  	_ =	shalt  }
0x59: {  	_ =	shalt  }
0x5a: {  	_ =	shalt  }
0x5b: {  	_ =	shalt  }
0x5c: {  	_ =	shalt  }
0x5d: {  	_ =	shalt  }
0x5e: {  	_ =	shalt  }
0x5f: {  	_ =	shalt  }
0x60: {  	_ =	shalt  }
0x61: {  	_ =	shalt  }
0x62: {  	_ =	shalt  }
0x63: {  	_ =	shalt  }
0x64: {  	_ =	shalt  }
0x65: {  	_ =	shalt  }
0x66: {  	_ =	shalt  }
0x67: {  	_ =	shalt  }
0x68: {  	_ =	shalt  }
0x69: {  	_ =	shalt  }
0x6a: {  	_ =	shalt  }
0x6b: {  	_ =	shalt  }
0x6c: {  	_ =	shalt  }
0x6d: {  	_ =	shalt  }
0x6e: {  	_ =	shalt  }
0x6f: {  	_ =	shalt  }
0x70: {  	_ =	shalt  }
0x71: {  	_ =	shalt  }
0x72: {  	_ =	shalt  }
0x73: {  	_ =	shalt  }
0x74: {  	_ =	shalt  }
0x75: {  	_ =	shalt  }
0x76: {  	_ =	shalt  }
0x77: {  	_ =	shalt  }
0x78: {  	_ =	shalt  }
0x79: {  	_ =	shalt  }
0x7a: {  	_ =	shalt  }
0x7b: {  	_ =	shalt  }
0x7c: {  	_ =	shalt  }
0x7d: {  	_ =	shalt  }
0x7e: {  	_ =	shalt  }
0x7f: {  	_ =	shalt  }
0x80: {  	_ =	shalt  }
0x81: {  	_ =	shalt  }
0x82: {  	_ =	shalt  }
0x83: {  	_ =	shalt  }
0x84: {  	_ =	shalt  }
0x85: {  	_ =	shalt  }
0x86: {  	_ =	shalt  }
0x87: {  	_ =	shalt  }
.Lfunc_end0:
.L_simem_size_0:
called_computation_lowered:
.L_overlay_start_0:
0x88: {  	s2 =	sld [smem:$0x3FD9]  }
0x89: {  	s3 =	sld [smem:$0x3FFE];
	_ =	sdelay $0x1  }
0x8a: {  	s1 =	srdreg.scid  }
0x8b: {  	s0 =	sand.u32 $0x1, s1  }
0x8c: {  	s17 =	sshll.u32 s0, $0xA;
	s2 =	sadd.s32 s3, s2  }
0x8d: {  	s2 =	sadd.s32 s2, s17  }
0x8e: {  	[smem:$0x3FB3] =	sst s2  }
0x8f: {  	_ = 	snop  }
0x90: {  	s2 =	sld [smem:$0x3FD0];
	(tm) =	ssettm $0x1  }
0x91: {  	s18 =	sld [smem:$0x3FFB];
	_ =	sdelay $0x3  }
0x92: {  	_ =	strace s18  }
0x93: {  	s3 =	sld [smem:$0x3FFC];
	_ =	sdelay $0x3  }
0x94: {  	_ =	strace s3  }
0x95: {  	s3 =	sld [smem:$0x3FFD];
	_ =	sdelay $0x3  }
0x96: {  	_ =	strace s3  }
0x97: {  	_ =	strace $0x8FFFFFFF  }
0x98: {  	s19 =	sld [smem:$0x3FDB];
	_ =	sdelay $0x1  }
0x99: {  	s4 =	simm.s32 $_scs_section_size  }
0x9a: {  	s5 =	simm.s32 $_size__tile_overlayer_lowered;
	s6 =	simm.s32 $_tile_overlayer_lowered  }
0x9b: {  	s22 =	simm.s32 $0x1BFF;
	s21 =	sshll.u32 s6, $0x1;
	s3 =	sadd.s32 s4, s19  }
0x9c: {  	s7 =	simm.s32 $0x0;
	s20 =	sshll.u32 s5, $0x1;
	s5 =	sadd.s32 s21, s3  }
0x9d: {  	[timem:s7], [sflag:s22] =	dma.local [hbm:s5], s20  }
0x9e: {  	_ =	swait.ge [sflag:s22], s20  }
0x9f: {  	s4 =	ssub.s32 $0x0, s20;
	[sflag:s22] =	ssyncset.done $0x0  }
0xa0: {  	[sflag:s22] =	ssyncadd.s32 s4;
	_ =	sdelay $0x1  }
0xa1: {  	s23 =	simm.s32 $0x1B8B  }
0xa2: {  	_ =	swait.ge [sflag:s23], $0x1  }
0xa3: {  	[sflag:s23] =	ssyncset.done $0x0  }
0xa4: {  	s25 =	simm.s32 $0x1B8E;
	s24 =	sld [smem:$0x3FFE];
	[sflag:s23] =	ssyncadd.s32 $0xFFFFFFFF  }
0xa5: {  	s26 =	simm.s32 $execute0_lowered;
	[smem:$0x3FD2] =	sst s25  }
0xa6: {  	s5 =	sshll.u32 s26, $0x1;
	_ =	strace $0x80000046;
	[dreg:$0x1] =	wrdreg $0xFFFFFFFF  }
0xa7: {  	s28 =	simm.s32 $_size_execute0_lowered;
	s3 =	sadd.s32 s3, s5;
	[dreg:$0x0] =	wrdreg $0x0  }
0xa8: {  	s5 =	sshll.u32 s28, $0x1;
	[dreg:$0x2] =	wrdreg s3  }
0xa9: {  	[dreg:$0x3] =	wrdreg s5  }
0xaa: {  	[dreg:$0x4] =	wrdreg $0xC0  }
0xab: {  	_ =	task [dreg:s7], $0x5FFFF  }
0xac: {  	[dreg:$0x1] =	wrdreg $0xFFFFFFFF  }
0xad: {  	[dreg:$0x0] =	wrdreg $0x60  }
0xae: {  	[dreg:$0x2] =	wrdreg s24  }
0xaf: {  	[dreg:$0x3] =	wrdreg s2  }
0xb0: {  	[dreg:$0x4] =	wrdreg $0x9  }
0xb1: {  	_ =	task.clear_ibuf [dreg:s7], $0x5FFFF;
	_ =	strace $0x90000046  }
0xb2: {  	s29 =	simm.s32 $0x9;
	_ =	strace $0x80000048  }
0xb3: {  	_ =	swait.ge [sflag:s29], $0x1  }
0xb4: {  	[sflag:s29] =	ssyncadd.s32 $0xFFFFFFFF  }
0xb5: {  	_ =	strace $0x90000048  }
0xb6: {  	_ =	sfence  }
0xb7: {  	s30 =	sld [smem:$0x0];
	_ =	sdelay $0x2  }
0xb8: {  	s31 =	sshll.u32 s1, $0xD;
	s1 =	sshrl.u32 s1, $0x2  }
0xb9: {  	s3 =	sand.u32 $0x4000, s31;
	s1 =	sadd.s32 s1, s30  }
0xba: {  	s0 =	sor.u32 s3, s0;
	s1 =	sshll.u32 s1, $0x11  }
0xbb: {  	s0 =	sor.u32 s1, s0  }
0xbc: {  	s0 =	sadd.s32 $0x8F2B, s0  }
0xbd: {  	[sflag:s0] =	ssyncadd.remote.s32 $0x1  }
0xbe: {  	_ =	sfence.sel $0xFFFF  }
0xbf: {  	[dreg:$0x0] =	wrdreg $0xFFFFFFFF;
	(pc) =	sbr.abs _section_cstart, $3  }
0xc0: {  	[dreg:$0x1] =	wrdreg $0xFFFFFFFF  }
0xc1: {  	_ =	task.clear_ibuf [dreg:s7], $0x2FFFF;
	_ =	strace $0x9FFFFFFF  }
0xc2: {  	(tm) =	ssettm $0x7FFFFFFF  }
0xc3: {  	_ =	shalt  }
tec
execute0_lowered:
.L_overlay_start_1:
0x0: {  	(tag) =	ssettag $0x1  }
0x1: {  	s1 =	stileid.u32  }
0x2: {  	p0 =	sgt.u32 s1, $0xB  }
.Ltmp0:
0x3: {  	_ = 	snop;
	(pc) =	sbr.rel @p0 .LBB2_5-.Ltmp0, $4  }
0x4: {  	s4 =	rddreg [dreg:$0x0]  }
0x5: {  	s3 =	rddreg [dreg:$0x1];
	s2 =	simm.s32 $0x0  }
0x6: {  	[smem:$0x7FF] =	sst s2  }
0x7: {  	s0 =	rddreg [dreg:$0x2];
	_ =	strace $0x80000047  }
0x8: {  	s5 =	srdreg.scid  }
0x9: {  	s6 =	sshll.u32 s1, $0x1;
	s5 =	sand.u32 $0x1, s5  }
0xa: {  	s6 =	sor.u32 s5, s6;
	s5 =	ssub.s32 $0x2, s5  }
0xb: {  	s4 =	sadd.s32 $0x4400, s4;
	s7 =	sshrl.u32 s5, $0x1  }
0xc: {  	s8 =	smul.u32 $0x640, s6;
	s6 =	sshll.u32 s6, $0x4;
	s5 =	ssub.s32 s5, s7  }
0xd: {  	s3 =	sadd.s32 s3, s6;
	s6 =	simm.s32 $0x1;
	s7 =	simm.s32 $0x3200  }
0xe: {  	s4 =	sadd.s32 s4, s8;
	s5 =	smax.u32 s5, $0x1;
	s8 =	simm.s32 $0x0  }
.LBB2_2:
0xf: {  	s9 =	simm.s32 $0x0  }
0x10: {  	[tilespmem:s9], [sflag:$0x1] =	stream.linear.gather [hbm4b:s4+s9], $0x3200, $0x38;
	[tilespmem:$0x3280] =	vst v63  }
0x11: {  	_ =	swait.ge [sflag:s6], $0x3200  }
0x12: {  	[sflag:s6] =	ssyncset.done $0x0  }
0x13: {  	s10 =	simm.s32 $0x0;
	[sflag:s6] =	ssyncadd.s32 $0xFFFFCE00  }
0x14: {  	v0 =	vimm.f32 $+Inf;
	s9 =	simm.s32 $0x40;
	v1 =	vld [tilespmem:s10+$0x0]  }
.LBB2_3:
0x15: {  	p0 =	sne.s32 s9, $0xC7C0  }
.Ltmp1:
0x16: {  	_ = 	snop;
	(pc) =	sbr.rel @p0 .LBB2_3-.Ltmp1, $3  }
0x17: {  	_ =	sdelay $0x1  }
0x18: {  	s10 =	sshra.s32 s9, $0x2;
	s9 =	sadd.s32 $0x40, s9;
	v0 =	vmin.f32 v0, v1  }
0x19: {  	v1 =	vld [tilespmem:s10+$0x0]  }
0x1a: {  	_ =	sdelay $0x2  }
0x1b: {  	s8 =	sadd.s32 $0x1, s8  }
0x1c: {  	p0 =	sne.s32 s8, s5;
	v0 =	vmin.f32 v0, v1  }
.Ltmp2:
0x1d: {  	[tilespmem:$0x3200] =	vst v0;
	(pc) =	sbr.rel @p0 .LBB2_2-.Ltmp2, $4  }
0x1e: {  	[hbm4b:s3+s2] =	stream.linear.scatter [tilespmem:s7], [sflag:$0x1], $0x80, $0x38;
	[tilespmem:$0x3280] =	vst v63  }
0x1f: {  	_ =	swait.ge [sflag:s6], $0x80  }
0x20: {  	[sflag:s6] =	ssyncset.done $0x0  }
0x21: {  	[sflag:s6] =	ssyncadd.s32 $0xFFFFFF80  }
.LBB2_5:
0x22: {  	_ =	sfence.sel $0x180000  }
0x23: {  	[bflag:$0x0] =	sbarrier.arrive $0xFFFF  }
0x24: {  	p0 =	sne.s32 s1, $0x0;
	_ =	strace $0x90000047  }
0x25: {  	s0 =	sadd.s32 @!p0 $0x100000, s0;
	[bflag:$0x2] =	sbarrier.arrive $0xFFFF  }
0x26: {  	[sflag:s0] =	ssyncadd.tile.s32 @!p0 $0x1;
	_ =	shalt  }
.Lfunc_end2:
_tile_overlayer_lowered:
.L_overlay_start_2:
0x27: {  	(tag) =	ssettag $0x2  }
0x28: {  	s0 =	rddreg [dreg:$0x0];
	s2 =	stileid.u32  }
0x29: {  	s1 =	rddreg [dreg:$0x1];
	p0 =	sne.s32 s2, $0x0  }
0x2a: {  	s3 =	rddreg [dreg:$0x2];
	[bflag:$0x3] =	sbarrier.arrive $0xFFFF;
	s2 =	simm.s32 @!p0 $0x1C01  }
0x2b: {  	[timem:s3], [sflag:s2] =	dma.local @!p0 [hbm:s0], s1  }
0x2c: {  	s0 =	simm.s32 @!p0 $0x1  }
0x2d: {  	_ =	swait.ge @!p0 [sflag:s0], s1  }
0x2e: {  	s1 =	ssub.s32 @!p0 $0x0, s1;
	[sflag:s0] =	ssyncset.done @!p0 $0x0  }
0x2f: {  	[sflag:s0] =	ssyncadd.s32 @!p0 s1  }
0x30: {  	[bflag:$0x3] =	sbarrier.arrive $0xFFFF  }
0x31: {  	_ =	shalt  }

</sc_bundles>
